<compile_context>
chip_gen: v7x
topology: tpu7x:2x2x1
jax: 0.10.2.dev20260603
libtpu: 0.0.44.dev20260713+nightly
codegen_flags: <defaults>
</compile_context>

<pallas_src>
import functools

import jax
import jax.numpy as jnp
import numpy as np
from jax import lax
from jax.experimental import pallas as pl
from jax.experimental.pallas import tpu as pltpu
from jax.experimental.pallas import tpu_sc as plsc

_NC = 2
_NS = 16
_NW = _NC * _NS
_L = 16

_B = 16384
_D = 16
_N = 1000000
_R = _N // 8
_BPW = _B // _NW
_CH = _BPW // 128
_HB = _BPW // 2
_TPN = 8192
_TPG = (_N + _TPN - 1) // _TPN


def _tp_body(in_ref, out_ref):
    x = in_ref[...]
    out_ref[...] = x.reshape(16, _TPN // 8, 8).transpose(1, 2, 0).reshape(
        _TPN // 8, 128)


def _tp_call(tabT):
    return pl.pallas_call(
        _tp_body,
        grid=(_TPG,),
        in_specs=[pl.BlockSpec((16, _TPN), lambda i: (0, i))],
        out_specs=pl.BlockSpec((_TPN // 8, 128), lambda i: (i, 0)),
        out_shape=jax.ShapeDtypeStruct((_R, 128), jnp.float32),
    )(tabT)


def _sc_body(iu_hbm, iu2_hbm, iv_hbm, iv2_hbm, table_hbm, sig_hbm, d2_hbm, s_hbm,
             idxu_v, idxu2_v, idxv_v, idxv2_v, us_v, vs_v, sig_v, sigb_v,
             d2_v, s_v, sem):
    wid = lax.axis_index("s") * _NC + lax.axis_index("c")
    base = wid * _BPW
    pltpu.sync_copy(iu_hbm.at[wid], idxu_v)
    pltpu.sync_copy(iu2_hbm.at[wid], idxu2_v)
    pltpu.sync_copy(iv_hbm.at[wid], idxv_v)
    pltpu.sync_copy(iv2_hbm.at[wid], idxv2_v)
    pltpu.sync_copy(sig_hbm, sig_v)
    ones = jnp.ones((_L,), jnp.float32)
    sig_vec = sig_v[...]
    for d in range(_D):
        sigb_v[pl.ds(d * _L, _L)] = ones / (sig_vec[d] * ones)

    iota = lax.iota(jnp.int32, _L)
    seven = jnp.full((_L,), 7, dtype=jnp.int32)

    for half in range(2):
        copies = []
        for c in range(_HB // 128):
            cc = half * (_HB // 128) + c
            copies.append(pltpu.async_copy(
                table_hbm.at[idxu2_v.at[cc]], us_v.at[pl.ds(c * 128, 128)],
                sem))
            copies.append(pltpu.async_copy(
                table_hbm.at[idxv2_v.at[cc]], vs_v.at[pl.ds(c * 128, 128)],
                sem))
        for cp in copies:
            cp.wait()

        def group(g, carry, half=half):
            rows = g * _L + iota
            gc = half * (_HB // 128) + g // 8
            go = (g % 8) * _L
            nu = idxu_v[gc, pl.ds(go, _L)]
            nv = idxv_v[gc, pl.ds(go, _L)]
            ubase = (nu & seven) * _L
            vbase = (nv & seven) * _L
            d2 = jnp.zeros((_L,), jnp.float32)
            ss = jnp.zeros((_L,), jnp.float32)
            for d in range(_D):
                tu = plsc.load_gather(us_v, [rows, ubase + d])
                tv = plsc.load_gather(vs_v, [rows, vbase + d])
                diff = tu - tv
                d2 = d2 + diff * diff
                ss = ss + (tu * tu + tv * tv) * sigb_v[pl.ds(d * _L, _L)]
            off = pl.multiple_of(half * _HB + g * _L, _L)
            d2_v[pl.ds(off, _L)] = d2
            s_v[pl.ds(off, _L)] = ss
            return carry

        lax.fori_loop(0, _HB // _L, group, 0)

    pltpu.sync_copy(d2_v, d2_hbm.at[pl.ds(base, _BPW)])
    pltpu.sync_copy(s_v, s_hbm.at[pl.ds(base, _BPW)])


@functools.cache
def _make_sc_call():
    @functools.partial(
        pl.kernel,
        mesh=plsc.VectorSubcoreMesh(core_axis_name="c", subcore_axis_name="s"),
        compiler_params=pltpu.CompilerParams(
            needs_layout_passes=False, use_tc_tiling_on_sc=False),
        out_type=[
            jax.ShapeDtypeStruct((_B,), jnp.float32),
            jax.ShapeDtypeStruct((_B,), jnp.float32),
        ],
        scratch_types=[
            pltpu.VMEM((_CH, 128), jnp.int32),
            pltpu.VMEM((_CH, 128), jnp.int32),
            pltpu.VMEM((_CH, 128), jnp.int32),
            pltpu.VMEM((_CH, 128), jnp.int32),
            pltpu.VMEM((_HB, 128), jnp.float32),
            pltpu.VMEM((_HB, 128), jnp.float32),
            pltpu.VMEM((_D,), jnp.float32),
            pltpu.VMEM((_D * _L,), jnp.float32),
            pltpu.VMEM((_BPW,), jnp.float32),
            pltpu.VMEM((_BPW,), jnp.float32),
            pltpu.SemaphoreType.DMA,
        ],
    )
    def _sc_call(iu_hbm, iu2_hbm, iv_hbm, iv2_hbm, table_hbm, sig_hbm,
                 d2_hbm, s_hbm, *scratch):
        _sc_body(iu_hbm, iu2_hbm, iv_hbm, iv2_hbm, table_hbm, sig_hbm,
                 d2_hbm, s_hbm, *scratch)

    return _sc_call


def _tc_body(bg_ref, sig_ref, d2_ref, s_ref, lab_ref, out_ref):
    beta = bg_ref[0]
    gamma = bg_ref[1]
    const2 = _D * jnp.log(jnp.float32(2.0 * np.pi)) + jnp.sum(jnp.log(sig_ref[...]))
    dist = jnp.sqrt(d2_ref[...])
    x = beta * dist - gamma
    sp = jnp.maximum(x, 0.0) + jnp.log1p(jnp.exp(-jnp.abs(x)))
    sn = sp - x
    latent = (const2 + 0.5 * s_ref[...]) * jnp.float32(1.0 / (_N - 1))
    out_ref[...] = jnp.where(lab_ref[...] == 1, sp, sn) + latent


def _tc_call(bg, sig, d2, ss, lab):
    return pl.pallas_call(
        _tc_body,
        out_shape=jax.ShapeDtypeStruct((128, 128), jnp.float32),
        in_specs=[
            pl.BlockSpec(memory_space=pltpu.SMEM),
            pl.BlockSpec(memory_space=pltpu.VMEM),
            pl.BlockSpec(memory_space=pltpu.VMEM),
            pl.BlockSpec(memory_space=pltpu.VMEM),
            pl.BlockSpec(memory_space=pltpu.VMEM),
        ],
    )(bg, sig, d2, ss, lab)


def kernel(pairs, labels, table, sigma, beta, gamma):
    iu = pairs[:, 0].reshape(_NW, _CH, 128)
    iv = pairs[:, 1].reshape(_NW, _CH, 128)
    iu2 = (pairs[:, 0] >> 3).reshape(_NW, _CH, 128)
    iv2 = (pairs[:, 1] >> 3).reshape(_NW, _CH, 128)
    tab2 = _tp_call(table.T)
    d2, ss = _make_sc_call()(iu, iu2, iv, iv2, tab2, sigma)
    bg = jnp.stack([beta, gamma]).astype(jnp.float32)
    loss = _tc_call(bg, sigma.reshape(1, _D), d2.reshape(128, 128),
                    ss.reshape(128, 128), labels.reshape(128, 128))
    return loss.reshape(_B)

# --- scband reference (transcript-rebuilt; emitter-appended) ---
"""Pipeline reference for scband-euclidean-29643864277669 (READ-ONLY COPY).

The authoritative reference and input builder live on the scoring server;
editing this copy changes nothing except your own understanding.
"""

import jax, jax.numpy as jnp
import numpy as np

N_NODES = 1000000
N_DIM = 16
BATCH = 16384


def setup_inputs(seed: int = 0) -> dict:
    key = jax.random.key(seed)
    k1, k2, k3 = jax.random.split(key, 3)
    pairs = jax.random.randint(k1, (BATCH, 2), 0, N_NODES, dtype=jnp.int32)
    labels = jax.random.randint(k2, (BATCH,), 0, 2, dtype=jnp.int32)
    # learned parameters
    table = jax.random.uniform(k3, (N_NODES, N_DIM), dtype=jnp.float32, minval=-0.01, maxval=0.01)
    sigma = jnp.ones((N_DIM,), dtype=jnp.float32)
    beta = jnp.asarray(1.0, dtype=jnp.float32)
    gamma = jnp.asarray(0.5, dtype=jnp.float32)
    return {"pairs": pairs, "labels": labels, "table": table, "sigma": sigma, "beta": beta, "gamma": gamma}


def _latent_lik(x, sigma):
    const = (N_DIM / 2.0) * jnp.log(jnp.asarray(2.0 * np.pi, dtype=x.dtype)) + 0.5 * jnp.sum(jnp.log(sigma))
    sigma_inv = 1.0 / sigma
    return const + 0.5 * jnp.sum(x * x * sigma_inv[None, :], axis=1)


def reference(pairs, labels, table, sigma, beta, gamma):
    # embedding lookups (gather)
    us = jnp.take(table, pairs[:, 0], axis=0)
    vs = jnp.take(table, pairs[:, 1], axis=0)
    # dist_k with k=0 -> Euclidean distance
    dist = jnp.sqrt(jnp.sum((us - vs) ** 2, axis=1))
    labf = labels.astype(jnp.float32)
    zero = jnp.zeros((), dtype=jnp.float32)
    lik_pos = jnp.logaddexp(zero, beta * dist - gamma)
    lik_neg = jnp.logaddexp(zero, -beta * dist + gamma)
    loss = jnp.where(labf == 1.0, lik_pos, lik_neg)
    # latent likelihood term (calc_latent=True)
    lik_us = _latent_lik(us, sigma)
    lik_vs = _latent_lik(vs, sigma)
    loss = loss + (lik_us + lik_vs) / (N_NODES - 1)
    return loss

if __name__ == "__main__":
    import jax
    _d = setup_inputs()
    print(jax.jit(kernel)(*tuple(_d.values())))

</pallas_src>

<mosaic_0001>
#map = affine_map<(d0, d1) -> (0, 0, 0)>
#map1 = affine_map<(d0, d1) -> (0, 0)>
#map2 = affine_map<(d0, d1) -> (0)>
module attributes {stable_mosaic.version = 14 : i64} {
  func.func @_sc_call(%arg0: i32, %arg1: i32, %arg2: memref<32x4x128xi32, #tpu.memory_space<hbm>>, %arg3: memref<32x4x128xi32, #tpu.memory_space<hbm>>, %arg4: memref<32x4x128xi32, #tpu.memory_space<hbm>>, %arg5: memref<32x4x128xi32, #tpu.memory_space<hbm>>, %arg6: memref<125000x128xf32, #tpu.memory_space<hbm>>, %arg7: memref<16xf32, #tpu.memory_space<hbm>>, %arg8: memref<16384xf32, #tpu.memory_space<hbm>>, %arg9: memref<16384xf32, #tpu.memory_space<hbm>>, %arg10: memref<4x128xi32, #tpu.memory_space<vmem>>, %arg11: memref<4x128xi32, #tpu.memory_space<vmem>>, %arg12: memref<4x128xi32, #tpu.memory_space<vmem>>, %arg13: memref<4x128xi32, #tpu.memory_space<vmem>>, %arg14: memref<256x128xf32, #tpu.memory_space<vmem>>, %arg15: memref<256x128xf32, #tpu.memory_space<vmem>>, %arg16: memref<16xf32, #tpu.memory_space<vmem>>, %arg17: memref<256xf32, #tpu.memory_space<vmem>>, %arg18: memref<512xf32, #tpu.memory_space<vmem>>, %arg19: memref<512xf32, #tpu.memory_space<vmem>>, %arg20: memref<!tpu.dma_semaphore, #tpu.memory_space<semaphore_mem>>) attributes {dimension_semantics = [#tpu.dimension_semantics<core_parallel>, #tpu.dimension_semantics<subcore_parallel>], iteration_bounds = array<i64: 2, 16>, scalar_prefetch = 0 : i64, scratch_operands = 11 : i64, tpu.core_type = #tpu.core_type<sc_vector_subcore>, window_params = [{transform_indices = #map}, {transform_indices = #map}, {transform_indices = #map}, {transform_indices = #map}, {transform_indices = #map1}, {transform_indices = #map2}, {transform_indices = #map2}, {transform_indices = #map2}]} {
    %mul3A = arith.constant 2 : i32
    %mul3A_0 = arith.muli %arg1, %mul3A : i32
    %add3A = arith.addi %mul3A_0, %arg0 : i32
    %mul3A_1 = arith.constant 512 : i32
    %mul3A_2 = arith.muli %add3A, %mul3A_1 : i32
    "tpu.region"() ({
      %run_scoped3A = tpu.sem_alloc : memref<!tpu.dma_semaphore, #tpu.memory_space<semaphore_mem>>
      %dma_start3A_284 = arith.constant 0 : i32
      %dma_start3A_285 = arith.constant 0 : i32
      %dma_start3A_286 = tpu.memref_slice %arg2[%add3A, %dma_start3A_284, %dma_start3A_285] : memref<32x4x128xi32, #tpu.memory_space<hbm>> -> memref<1x4x128xi32, #tpu.memory_space<hbm>>
      %dma_start3A_287 = tpu.memref_squeeze %dma_start3A_286 : memref<1x4x128xi32, #tpu.memory_space<hbm>> -> memref<4x128xi32, #tpu.memory_space<hbm>>
      %dma_start3A_288 = arith.constant 0 : i32
      %dma_start3A_289 = arith.constant 0 : i32
      %dma_start3A_290 = tpu.memref_slice %arg2[%add3A, %dma_start3A_288, %dma_start3A_289] : memref<32x4x128xi32, #tpu.memory_space<hbm>> -> memref<1x4x128xi32, #tpu.memory_space<hbm>>
      %dma_start3A_291 = tpu.memref_squeeze %dma_start3A_290 : memref<1x4x128xi32, #tpu.memory_space<hbm>> -> memref<4x128xi32, #tpu.memory_space<hbm>>
      tpu.enqueue_dma source(%dma_start3A_291 : memref<4x128xi32, #tpu.memory_space<hbm>>) target(%arg10 : memref<4x128xi32, #tpu.memory_space<vmem>>) target_semaphore(%run_scoped3A : memref<!tpu.dma_semaphore, #tpu.memory_space<semaphore_mem>>)
      %dma_wait3A_292 = arith.constant 0 : i32
      %dma_wait3A_293 = arith.constant 0 : i32
      %dma_wait3A_294 = tpu.memref_slice %arg2[%add3A, %dma_wait3A_292, %dma_wait3A_293] : memref<32x4x128xi32, #tpu.memory_space<hbm>> -> memref<1x4x128xi32, #tpu.memory_space<hbm>>
      %dma_wait3A_295 = tpu.memref_squeeze %dma_wait3A_294 : memref<1x4x128xi32, #tpu.memory_space<hbm>> -> memref<4x128xi32, #tpu.memory_space<hbm>>
      %dma_wait3A_296 = arith.constant 0 : i32
      %dma_wait3A_297 = arith.constant 0 : i32
      %dma_wait3A_298 = tpu.memref_slice %arg2[%add3A, %dma_wait3A_296, %dma_wait3A_297] : memref<32x4x128xi32, #tpu.memory_space<hbm>> -> memref<1x4x128xi32, #tpu.memory_space<hbm>>
      %dma_wait3A_299 = tpu.memref_squeeze %dma_wait3A_298 : memref<1x4x128xi32, #tpu.memory_space<hbm>> -> memref<4x128xi32, #tpu.memory_space<hbm>>
      tpu.wait_dma2 semaphore(%run_scoped3A : memref<!tpu.dma_semaphore, #tpu.memory_space<semaphore_mem>>) src(%dma_wait3A_299 : memref<4x128xi32, #tpu.memory_space<hbm>>) dst(%arg10 : memref<4x128xi32, #tpu.memory_space<vmem>>)
      tpu.yield
    }) : () -> ()
    "tpu.region"() ({
      %run_scoped3A = tpu.sem_alloc : memref<!tpu.dma_semaphore, #tpu.memory_space<semaphore_mem>>
      %dma_start3A_284 = arith.constant 0 : i32
      %dma_start3A_285 = arith.constant 0 : i32
      %dma_start3A_286 = tpu.memref_slice %arg3[%add3A, %dma_start3A_284, %dma_start3A_285] : memref<32x4x128xi32, #tpu.memory_space<hbm>> -> memref<1x4x128xi32, #tpu.memory_space<hbm>>
      %dma_start3A_287 = tpu.memref_squeeze %dma_start3A_286 : memref<1x4x128xi32, #tpu.memory_space<hbm>> -> memref<4x128xi32, #tpu.memory_space<hbm>>
      %dma_start3A_288 = arith.constant 0 : i32
      %dma_start3A_289 = arith.constant 0 : i32
      %dma_start3A_290 = tpu.memref_slice %arg3[%add3A, %dma_start3A_288, %dma_start3A_289] : memref<32x4x128xi32, #tpu.memory_space<hbm>> -> memref<1x4x128xi32, #tpu.memory_space<hbm>>
      %dma_start3A_291 = tpu.memref_squeeze %dma_start3A_290 : memref<1x4x128xi32, #tpu.memory_space<hbm>> -> memref<4x128xi32, #tpu.memory_space<hbm>>
      tpu.enqueue_dma source(%dma_start3A_291 : memref<4x128xi32, #tpu.memory_space<hbm>>) target(%arg11 : memref<4x128xi32, #tpu.memory_space<vmem>>) target_semaphore(%run_scoped3A : memref<!tpu.dma_semaphore, #tpu.memory_space<semaphore_mem>>)
      %dma_wait3A_292 = arith.constant 0 : i32
      %dma_wait3A_293 = arith.constant 0 : i32
      %dma_wait3A_294 = tpu.memref_slice %arg3[%add3A, %dma_wait3A_292, %dma_wait3A_293] : memref<32x4x128xi32, #tpu.memory_space<hbm>> -> memref<1x4x128xi32, #tpu.memory_space<hbm>>
      %dma_wait3A_295 = tpu.memref_squeeze %dma_wait3A_294 : memref<1x4x128xi32, #tpu.memory_space<hbm>> -> memref<4x128xi32, #tpu.memory_space<hbm>>
      %dma_wait3A_296 = arith.constant 0 : i32
      %dma_wait3A_297 = arith.constant 0 : i32
      %dma_wait3A_298 = tpu.memref_slice %arg3[%add3A, %dma_wait3A_296, %dma_wait3A_297] : memref<32x4x128xi32, #tpu.memory_space<hbm>> -> memref<1x4x128xi32, #tpu.memory_space<hbm>>
      %dma_wait3A_299 = tpu.memref_squeeze %dma_wait3A_298 : memref<1x4x128xi32, #tpu.memory_space<hbm>> -> memref<4x128xi32, #tpu.memory_space<hbm>>
      tpu.wait_dma2 semaphore(%run_scoped3A : memref<!tpu.dma_semaphore, #tpu.memory_space<semaphore_mem>>) src(%dma_wait3A_299 : memref<4x128xi32, #tpu.memory_space<hbm>>) dst(%arg11 : memref<4x128xi32, #tpu.memory_space<vmem>>)
      tpu.yield
    }) : () -> ()
    "tpu.region"() ({
      %run_scoped3A = tpu.sem_alloc : memref<!tpu.dma_semaphore, #tpu.memory_space<semaphore_mem>>
      %dma_start3A_284 = arith.constant 0 : i32
      %dma_start3A_285 = arith.constant 0 : i32
      %dma_start3A_286 = tpu.memref_slice %arg4[%add3A, %dma_start3A_284, %dma_start3A_285] : memref<32x4x128xi32, #tpu.memory_space<hbm>> -> memref<1x4x128xi32, #tpu.memory_space<hbm>>
      %dma_start3A_287 = tpu.memref_squeeze %dma_start3A_286 : memref<1x4x128xi32, #tpu.memory_space<hbm>> -> memref<4x128xi32, #tpu.memory_space<hbm>>
      %dma_start3A_288 = arith.constant 0 : i32
      %dma_start3A_289 = arith.constant 0 : i32
      %dma_start3A_290 = tpu.memref_slice %arg4[%add3A, %dma_start3A_288, %dma_start3A_289] : memref<32x4x128xi32, #tpu.memory_space<hbm>> -> memref<1x4x128xi32, #tpu.memory_space<hbm>>
      %dma_start3A_291 = tpu.memref_squeeze %dma_start3A_290 : memref<1x4x128xi32, #tpu.memory_space<hbm>> -> memref<4x128xi32, #tpu.memory_space<hbm>>
      tpu.enqueue_dma source(%dma_start3A_291 : memref<4x128xi32, #tpu.memory_space<hbm>>) target(%arg12 : memref<4x128xi32, #tpu.memory_space<vmem>>) target_semaphore(%run_scoped3A : memref<!tpu.dma_semaphore, #tpu.memory_space<semaphore_mem>>)
      %dma_wait3A_292 = arith.constant 0 : i32
      %dma_wait3A_293 = arith.constant 0 : i32
      %dma_wait3A_294 = tpu.memref_slice %arg4[%add3A, %dma_wait3A_292, %dma_wait3A_293] : memref<32x4x128xi32, #tpu.memory_space<hbm>> -> memref<1x4x128xi32, #tpu.memory_space<hbm>>
      %dma_wait3A_295 = tpu.memref_squeeze %dma_wait3A_294 : memref<1x4x128xi32, #tpu.memory_space<hbm>> -> memref<4x128xi32, #tpu.memory_space<hbm>>
      %dma_wait3A_296 = arith.constant 0 : i32
      %dma_wait3A_297 = arith.constant 0 : i32
      %dma_wait3A_298 = tpu.memref_slice %arg4[%add3A, %dma_wait3A_296, %dma_wait3A_297] : memref<32x4x128xi32, #tpu.memory_space<hbm>> -> memref<1x4x128xi32, #tpu.memory_space<hbm>>
      %dma_wait3A_299 = tpu.memref_squeeze %dma_wait3A_298 : memref<1x4x128xi32, #tpu.memory_space<hbm>> -> memref<4x128xi32, #tpu.memory_space<hbm>>
      tpu.wait_dma2 semaphore(%run_scoped3A : memref<!tpu.dma_semaphore, #tpu.memory_space<semaphore_mem>>) src(%dma_wait3A_299 : memref<4x128xi32, #tpu.memory_space<hbm>>) dst(%arg12 : memref<4x128xi32, #tpu.memory_space<vmem>>)
      tpu.yield
    }) : () -> ()
    "tpu.region"() ({
      %run_scoped3A = tpu.sem_alloc : memref<!tpu.dma_semaphore, #tpu.memory_space<semaphore_mem>>
      %dma_start3A_284 = arith.constant 0 : i32
      %dma_start3A_285 = arith.constant 0 : i32
      %dma_start3A_286 = tpu.memref_slice %arg5[%add3A, %dma_start3A_284, %dma_start3A_285] : memref<32x4x128xi32, #tpu.memory_space<hbm>> -> memref<1x4x128xi32, #tpu.memory_space<hbm>>
      %dma_start3A_287 = tpu.memref_squeeze %dma_start3A_286 : memref<1x4x128xi32, #tpu.memory_space<hbm>> -> memref<4x128xi32, #tpu.memory_space<hbm>>
      %dma_start3A_288 = arith.constant 0 : i32
      %dma_start3A_289 = arith.constant 0 : i32
      %dma_start3A_290 = tpu.memref_slice %arg5[%add3A, %dma_start3A_288, %dma_start3A_289] : memref<32x4x128xi32, #tpu.memory_space<hbm>> -> memref<1x4x128xi32, #tpu.memory_space<hbm>>
      %dma_start3A_291 = tpu.memref_squeeze %dma_start3A_290 : memref<1x4x128xi32, #tpu.memory_space<hbm>> -> memref<4x128xi32, #tpu.memory_space<hbm>>
      tpu.enqueue_dma source(%dma_start3A_291 : memref<4x128xi32, #tpu.memory_space<hbm>>) target(%arg13 : memref<4x128xi32, #tpu.memory_space<vmem>>) target_semaphore(%run_scoped3A : memref<!tpu.dma_semaphore, #tpu.memory_space<semaphore_mem>>)
      %dma_wait3A_292 = arith.constant 0 : i32
      %dma_wait3A_293 = arith.constant 0 : i32
      %dma_wait3A_294 = tpu.memref_slice %arg5[%add3A, %dma_wait3A_292, %dma_wait3A_293] : memref<32x4x128xi32, #tpu.memory_space<hbm>> -> memref<1x4x128xi32, #tpu.memory_space<hbm>>
      %dma_wait3A_295 = tpu.memref_squeeze %dma_wait3A_294 : memref<1x4x128xi32, #tpu.memory_space<hbm>> -> memref<4x128xi32, #tpu.memory_space<hbm>>
      %dma_wait3A_296 = arith.constant 0 : i32
      %dma_wait3A_297 = arith.constant 0 : i32
      %dma_wait3A_298 = tpu.memref_slice %arg5[%add3A, %dma_wait3A_296, %dma_wait3A_297] : memref<32x4x128xi32, #tpu.memory_space<hbm>> -> memref<1x4x128xi32, #tpu.memory_space<hbm>>
      %dma_wait3A_299 = tpu.memref_squeeze %dma_wait3A_298 : memref<1x4x128xi32, #tpu.memory_space<hbm>> -> memref<4x128xi32, #tpu.memory_space<hbm>>
      tpu.wait_dma2 semaphore(%run_scoped3A : memref<!tpu.dma_semaphore, #tpu.memory_space<semaphore_mem>>) src(%dma_wait3A_299 : memref<4x128xi32, #tpu.memory_space<hbm>>) dst(%arg13 : memref<4x128xi32, #tpu.memory_space<vmem>>)
      tpu.yield
    }) : () -> ()
    "tpu.region"() ({
      %run_scoped3A = tpu.sem_alloc : memref<!tpu.dma_semaphore, #tpu.memory_space<semaphore_mem>>
      tpu.enqueue_dma source(%arg7 : memref<16xf32, #tpu.memory_space<hbm>>) target(%arg16 : memref<16xf32, #tpu.memory_space<vmem>>) target_semaphore(%run_scoped3A : memref<!tpu.dma_semaphore, #tpu.memory_space<semaphore_mem>>)
      tpu.wait_dma2 semaphore(%run_scoped3A : memref<!tpu.dma_semaphore, #tpu.memory_space<semaphore_mem>>) src(%arg7 : memref<16xf32, #tpu.memory_space<hbm>>) dst(%arg16 : memref<16xf32, #tpu.memory_space<vmem>>)
      tpu.yield
    }) : () -> ()
    %broadcast_in_dim3A = arith.constant 1.000000e+00 : f32
    %broadcast_in_dim3A_3 = vector.broadcast %broadcast_in_dim3A : f32 to vector<16xf32>
    %get3A = arith.constant 0 : index
    %get3A_4 = tpu.vector_load %arg16[%get3A] {strides = array<i32>} : memref<16xf32, #tpu.memory_space<vmem>>, vector<16xf32>,
    %slice3A = vector.extract_strided_slice %get3A_4 {offsets = [0], sizes = [1], strides = [1]} : vector<16xf32> to vector<1xf32>
    %squeeze3A = vector.extract %slice3A[0] : f32 from vector<1xf32>
    %mul3A_5 = vector.broadcast %squeeze3A : f32 to vector<16xf32>
    %mul3A_6 = arith.mulf %mul3A_5, %broadcast_in_dim3A_3 : vector<16xf32>
    %div3A = arith.divf %broadcast_in_dim3A_3, %mul3A_6 : vector<16xf32>
    %swap3A = arith.constant 0 : index
    %swap3A_7 = tpu.vector_load %arg17[%swap3A] {strides = array<i32>} : memref<256xf32, #tpu.memory_space<vmem>>, vector<16xf32>,
    tpu.vector_store %arg17[%swap3A], %div3A {strides = array<i32>} : memref<256xf32, #tpu.memory_space<vmem>>, vector<16xf32>,
    %slice3A_8 = vector.extract_strided_slice %get3A_4 {offsets = [1], sizes = [1], strides = [1]} : vector<16xf32> to vector<1xf32>
    %squeeze3A_9 = vector.extract %slice3A_8[0] : f32 from vector<1xf32>
    %mul3A_10 = vector.broadcast %squeeze3A_9 : f32 to vector<16xf32>
    %mul3A_11 = arith.mulf %mul3A_10, %broadcast_in_dim3A_3 : vector<16xf32>
    %div3A_12 = arith.divf %broadcast_in_dim3A_3, %mul3A_11 : vector<16xf32>
    %swap3A_13 = arith.constant 16 : index
    %swap3A_14 = tpu.vector_load %arg17[%swap3A_13] {strides = array<i32>} : memref<256xf32, #tpu.memory_space<vmem>>, vector<16xf32>,
    tpu.vector_store %arg17[%swap3A_13], %div3A_12 {strides = array<i32>} : memref<256xf32, #tpu.memory_space<vmem>>, vector<16xf32>,
    %slice3A_15 = vector.extract_strided_slice %get3A_4 {offsets = [2], sizes = [1], strides = [1]} : vector<16xf32> to vector<1xf32>
    %squeeze3A_16 = vector.extract %slice3A_15[0] : f32 from vector<1xf32>
    %mul3A_17 = vector.broadcast %squeeze3A_16 : f32 to vector<16xf32>
    %mul3A_18 = arith.mulf %mul3A_17, %broadcast_in_dim3A_3 : vector<16xf32>
    %div3A_19 = arith.divf %broadcast_in_dim3A_3, %mul3A_18 : vector<16xf32>
    %swap3A_20 = arith.constant 32 : index
    %swap3A_21 = tpu.vector_load %arg17[%swap3A_20] {strides = array<i32>} : memref<256xf32, #tpu.memory_space<vmem>>, vector<16xf32>,
    tpu.vector_store %arg17[%swap3A_20], %div3A_19 {strides = array<i32>} : memref<256xf32, #tpu.memory_space<vmem>>, vector<16xf32>,
    %slice3A_22 = vector.extract_strided_slice %get3A_4 {offsets = [3], sizes = [1], strides = [1]} : vector<16xf32> to vector<1xf32>
    %squeeze3A_23 = vector.extract %slice3A_22[0] : f32 from vector<1xf32>
    %mul3A_24 = vector.broadcast %squeeze3A_23 : f32 to vector<16xf32>
    %mul3A_25 = arith.mulf %mul3A_24, %broadcast_in_dim3A_3 : vector<16xf32>
    %div3A_26 = arith.divf %broadcast_in_dim3A_3, %mul3A_25 : vector<16xf32>
    %swap3A_27 = arith.constant 48 : index
    %swap3A_28 = tpu.vector_load %arg17[%swap3A_27] {strides = array<i32>} : memref<256xf32, #tpu.memory_space<vmem>>, vector<16xf32>,
    tpu.vector_store %arg17[%swap3A_27], %div3A_26 {strides = array<i32>} : memref<256xf32, #tpu.memory_space<vmem>>, vector<16xf32>,
    %slice3A_29 = vector.extract_strided_slice %get3A_4 {offsets = [4], sizes = [1], strides = [1]} : vector<16xf32> to vector<1xf32>
    %squeeze3A_30 = vector.extract %slice3A_29[0] : f32 from vector<1xf32>
    %mul3A_31 = vector.broadcast %squeeze3A_30 : f32 to vector<16xf32>
    %mul3A_32 = arith.mulf %mul3A_31, %broadcast_in_dim3A_3 : vector<16xf32>
    %div3A_33 = arith.divf %broadcast_in_dim3A_3, %mul3A_32 : vector<16xf32>
    %swap3A_34 = arith.constant 64 : index
    %swap3A_35 = tpu.vector_load %arg17[%swap3A_34] {strides = array<i32>} : memref<256xf32, #tpu.memory_space<vmem>>, vector<16xf32>,
    tpu.vector_store %arg17[%swap3A_34], %div3A_33 {strides = array<i32>} : memref<256xf32, #tpu.memory_space<vmem>>, vector<16xf32>,
    %slice3A_36 = vector.extract_strided_slice %get3A_4 {offsets = [5], sizes = [1], strides = [1]} : vector<16xf32> to vector<1xf32>
    %squeeze3A_37 = vector.extract %slice3A_36[0] : f32 from vector<1xf32>
    %mul3A_38 = vector.broadcast %squeeze3A_37 : f32 to vector<16xf32>
    %mul3A_39 = arith.mulf %mul3A_38, %broadcast_in_dim3A_3 : vector<16xf32>
    %div3A_40 = arith.divf %broadcast_in_dim3A_3, %mul3A_39 : vector<16xf32>
    %swap3A_41 = arith.constant 80 : index
    %swap3A_42 = tpu.vector_load %arg17[%swap3A_41] {strides = array<i32>} : memref<256xf32, #tpu.memory_space<vmem>>, vector<16xf32>,
    tpu.vector_store %arg17[%swap3A_41], %div3A_40 {strides = array<i32>} : memref<256xf32, #tpu.memory_space<vmem>>, vector<16xf32>,
    %slice3A_43 = vector.extract_strided_slice %get3A_4 {offsets = [6], sizes = [1], strides = [1]} : vector<16xf32> to vector<1xf32>
    %squeeze3A_44 = vector.extract %slice3A_43[0] : f32 from vector<1xf32>
    %mul3A_45 = vector.broadcast %squeeze3A_44 : f32 to vector<16xf32>
    %mul3A_46 = arith.mulf %mul3A_45, %broadcast_in_dim3A_3 : vector<16xf32>
    %div3A_47 = arith.divf %broadcast_in_dim3A_3, %mul3A_46 : vector<16xf32>
    %swap3A_48 = arith.constant 96 : index
    %swap3A_49 = tpu.vector_load %arg17[%swap3A_48] {strides = array<i32>} : memref<256xf32, #tpu.memory_space<vmem>>, vector<16xf32>,
    tpu.vector_store %arg17[%swap3A_48], %div3A_47 {strides = array<i32>} : memref<256xf32, #tpu.memory_space<vmem>>, vector<16xf32>,
    %slice3A_50 = vector.extract_strided_slice %get3A_4 {offsets = [7], sizes = [1], strides = [1]} : vector<16xf32> to vector<1xf32>
    %squeeze3A_51 = vector.extract %slice3A_50[0] : f32 from vector<1xf32>
    %mul3A_52 = vector.broadcast %squeeze3A_51 : f32 to vector<16xf32>
    %mul3A_53 = arith.mulf %mul3A_52, %broadcast_in_dim3A_3 : vector<16xf32>
    %div3A_54 = arith.divf %broadcast_in_dim3A_3, %mul3A_53 : vector<16xf32>
    %swap3A_55 = arith.constant 112 : index
    %swap3A_56 = tpu.vector_load %arg17[%swap3A_55] {strides = array<i32>} : memref<256xf32, #tpu.memory_space<vmem>>, vector<16xf32>,
    tpu.vector_store %arg17[%swap3A_55], %div3A_54 {strides = array<i32>} : memref<256xf32, #tpu.memory_space<vmem>>, vector<16xf32>,
    %slice3A_57 = vector.extract_strided_slice %get3A_4 {offsets = [8], sizes = [1], strides = [1]} : vector<16xf32> to vector<1xf32>
    %squeeze3A_58 = vector.extract %slice3A_57[0] : f32 from vector<1xf32>
    %mul3A_59 = vector.broadcast %squeeze3A_58 : f32 to vector<16xf32>
    %mul3A_60 = arith.mulf %mul3A_59, %broadcast_in_dim3A_3 : vector<16xf32>
    %div3A_61 = arith.divf %broadcast_in_dim3A_3, %mul3A_60 : vector<16xf32>
    %swap3A_62 = arith.constant 128 : index
    %swap3A_63 = tpu.vector_load %arg17[%swap3A_62] {strides = array<i32>} : memref<256xf32, #tpu.memory_space<vmem>>, vector<16xf32>,
    tpu.vector_store %arg17[%swap3A_62], %div3A_61 {strides = array<i32>} : memref<256xf32, #tpu.memory_space<vmem>>, vector<16xf32>,
    %slice3A_64 = vector.extract_strided_slice %get3A_4 {offsets = [9], sizes = [1], strides = [1]} : vector<16xf32> to vector<1xf32>
    %squeeze3A_65 = vector.extract %slice3A_64[0] : f32 from vector<1xf32>
    %mul3A_66 = vector.broadcast %squeeze3A_65 : f32 to vector<16xf32>
    %mul3A_67 = arith.mulf %mul3A_66, %broadcast_in_dim3A_3 : vector<16xf32>
    %div3A_68 = arith.divf %broadcast_in_dim3A_3, %mul3A_67 : vector<16xf32>
    %swap3A_69 = arith.constant 144 : index
    %swap3A_70 = tpu.vector_load %arg17[%swap3A_69] {strides = array<i32>} : memref<256xf32, #tpu.memory_space<vmem>>, vector<16xf32>,
    tpu.vector_store %arg17[%swap3A_69], %div3A_68 {strides = array<i32>} : memref<256xf32, #tpu.memory_space<vmem>>, vector<16xf32>,
    %slice3A_71 = vector.extract_strided_slice %get3A_4 {offsets = [10], sizes = [1], strides = [1]} : vector<16xf32> to vector<1xf32>
    %squeeze3A_72 = vector.extract %slice3A_71[0] : f32 from vector<1xf32>
    %mul3A_73 = vector.broadcast %squeeze3A_72 : f32 to vector<16xf32>
    %mul3A_74 = arith.mulf %mul3A_73, %broadcast_in_dim3A_3 : vector<16xf32>
    %div3A_75 = arith.divf %broadcast_in_dim3A_3, %mul3A_74 : vector<16xf32>
    %swap3A_76 = arith.constant 160 : index
    %swap3A_77 = tpu.vector_load %arg17[%swap3A_76] {strides = array<i32>} : memref<256xf32, #tpu.memory_space<vmem>>, vector<16xf32>,
    tpu.vector_store %arg17[%swap3A_76], %div3A_75 {strides = array<i32>} : memref<256xf32, #tpu.memory_space<vmem>>, vector<16xf32>,
    %slice3A_78 = vector.extract_strided_slice %get3A_4 {offsets = [11], sizes = [1], strides = [1]} : vector<16xf32> to vector<1xf32>
    %squeeze3A_79 = vector.extract %slice3A_78[0] : f32 from vector<1xf32>
    %mul3A_80 = vector.broadcast %squeeze3A_79 : f32 to vector<16xf32>
    %mul3A_81 = arith.mulf %mul3A_80, %broadcast_in_dim3A_3 : vector<16xf32>
    %div3A_82 = arith.divf %broadcast_in_dim3A_3, %mul3A_81 : vector<16xf32>
    %swap3A_83 = arith.constant 176 : index
    %swap3A_84 = tpu.vector_load %arg17[%swap3A_83] {strides = array<i32>} : memref<256xf32, #tpu.memory_space<vmem>>, vector<16xf32>,
    tpu.vector_store %arg17[%swap3A_83], %div3A_82 {strides = array<i32>} : memref<256xf32, #tpu.memory_space<vmem>>, vector<16xf32>,
    %slice3A_85 = vector.extract_strided_slice %get3A_4 {offsets = [12], sizes = [1], strides = [1]} : vector<16xf32> to vector<1xf32>
    %squeeze3A_86 = vector.extract %slice3A_85[0] : f32 from vector<1xf32>
    %mul3A_87 = vector.broadcast %squeeze3A_86 : f32 to vector<16xf32>
    %mul3A_88 = arith.mulf %mul3A_87, %broadcast_in_dim3A_3 : vector<16xf32>
    %div3A_89 = arith.divf %broadcast_in_dim3A_3, %mul3A_88 : vector<16xf32>
    %swap3A_90 = arith.constant 192 : index
    %swap3A_91 = tpu.vector_load %arg17[%swap3A_90] {strides = array<i32>} : memref<256xf32, #tpu.memory_space<vmem>>, vector<16xf32>,
    tpu.vector_store %arg17[%swap3A_90], %div3A_89 {strides = array<i32>} : memref<256xf32, #tpu.memory_space<vmem>>, vector<16xf32>,
    %slice3A_92 = vector.extract_strided_slice %get3A_4 {offsets = [13], sizes = [1], strides = [1]} : vector<16xf32> to vector<1xf32>
    %squeeze3A_93 = vector.extract %slice3A_92[0] : f32 from vector<1xf32>
    %mul3A_94 = vector.broadcast %squeeze3A_93 : f32 to vector<16xf32>
    %mul3A_95 = arith.mulf %mul3A_94, %broadcast_in_dim3A_3 : vector<16xf32>
    %div3A_96 = arith.divf %broadcast_in_dim3A_3, %mul3A_95 : vector<16xf32>
    %swap3A_97 = arith.constant 208 : index
    %swap3A_98 = tpu.vector_load %arg17[%swap3A_97] {strides = array<i32>} : memref<256xf32, #tpu.memory_space<vmem>>, vector<16xf32>,
    tpu.vector_store %arg17[%swap3A_97], %div3A_96 {strides = array<i32>} : memref<256xf32, #tpu.memory_space<vmem>>, vector<16xf32>,
    %slice3A_99 = vector.extract_strided_slice %get3A_4 {offsets = [14], sizes = [1], strides = [1]} : vector<16xf32> to vector<1xf32>
    %squeeze3A_100 = vector.extract %slice3A_99[0] : f32 from vector<1xf32>
    %mul3A_101 = vector.broadcast %squeeze3A_100 : f32 to vector<16xf32>
    %mul3A_102 = arith.mulf %mul3A_101, %broadcast_in_dim3A_3 : vector<16xf32>
    %div3A_103 = arith.divf %broadcast_in_dim3A_3, %mul3A_102 : vector<16xf32>
    %swap3A_104 = arith.constant 224 : index
    %swap3A_105 = tpu.vector_load %arg17[%swap3A_104] {strides = array<i32>} : memref<256xf32, #tpu.memory_space<vmem>>, vector<16xf32>,
    tpu.vector_store %arg17[%swap3A_104], %div3A_103 {strides = array<i32>} : memref<256xf32, #tpu.memory_space<vmem>>, vector<16xf32>,
    %slice3A_106 = vector.extract_strided_slice %get3A_4 {offsets = [15], sizes = [1], strides = [1]} : vector<16xf32> to vector<1xf32>
    %squeeze3A_107 = vector.extract %slice3A_106[0] : f32 from vector<1xf32>
    %mul3A_108 = vector.broadcast %squeeze3A_107 : f32 to vector<16xf32>
    %mul3A_109 = arith.mulf %mul3A_108, %broadcast_in_dim3A_3 : vector<16xf32>
    %div3A_110 = arith.divf %broadcast_in_dim3A_3, %mul3A_109 : vector<16xf32>
    %swap3A_111 = arith.constant 240 : index
    %swap3A_112 = tpu.vector_load %arg17[%swap3A_111] {strides = array<i32>} : memref<256xf32, #tpu.memory_space<vmem>>, vector<16xf32>,
    tpu.vector_store %arg17[%swap3A_111], %div3A_110 {strides = array<i32>} : memref<256xf32, #tpu.memory_space<vmem>>, vector<16xf32>,
    %iota3A = tpu.iota {dimensions = array<i32: 0>} : vector<16xi32>
    %broadcast_in_dim3A_113 = arith.constant 7 : i32
    %broadcast_in_dim3A_114 = vector.broadcast %broadcast_in_dim3A_113 : i32 to vector<16xi32>
    %dma_start3A = arith.constant 0 : i32
    %dma_start3A_115 = arith.constant 0 : i32
    %dma_start3A_116 = arith.constant 0 : i32
    %dma_start3A_117 = tpu.memref_slice %arg14[%dma_start3A_115, %dma_start3A_116] : memref<256x128xf32, #tpu.memory_space<vmem>> -> memref<128x128xf32, #tpu.memory_space<vmem>>
    %dma_start3A_118 = arith.constant 0 : i32
    %dma_start3A_119 = tpu.memref_slice %arg11[%dma_start3A, %dma_start3A_118] : memref<4x128xi32, #tpu.memory_space<vmem>> -> memref<1x128xi32, #tpu.memory_space<vmem>>
    %dma_start3A_120 = tpu.memref_squeeze %dma_start3A_119 : memref<1x128xi32, #tpu.memory_space<vmem>> -> memref<128xi32, #tpu.memory_space<vmem>>
    %dma_start3A_121 = arith.constant 0 : i32
    %dma_start3A_122 = arith.constant 0 : i32
    %dma_start3A_123 = tpu.memref_slice %arg6[%dma_start3A_121, %dma_start3A_122] : memref<125000x128xf32, #tpu.memory_space<hbm>> -> memref<125000x128xf32, #tpu.memory_space<hbm>>
    tpu.enqueue_indirect_dma source(%dma_start3A_123 : memref<125000x128xf32, #tpu.memory_space<hbm>>) target(%dma_start3A_117 : memref<128x128xf32, #tpu.memory_space<vmem>>) offsets(%dma_start3A_120 : memref<128xi32, #tpu.memory_space<vmem>>) semaphore(%arg20 : memref<!tpu.dma_semaphore, #tpu.memory_space<semaphore_mem>>)
    %dma_start3A_124 = arith.constant 0 : i32
    %dma_start3A_125 = arith.constant 0 : i32
    %dma_start3A_126 = arith.constant 0 : i32
    %dma_start3A_127 = tpu.memref_slice %arg15[%dma_start3A_125, %dma_start3A_126] : memref<256x128xf32, #tpu.memory_space<vmem>> -> memref<128x128xf32, #tpu.memory_space<vmem>>
    %dma_start3A_128 = arith.constant 0 : i32
    %dma_start3A_129 = tpu.memref_slice %arg13[%dma_start3A_124, %dma_start3A_128] : memref<4x128xi32, #tpu.memory_space<vmem>> -> memref<1x128xi32, #tpu.memory_space<vmem>>
    %dma_start3A_130 = tpu.memref_squeeze %dma_start3A_129 : memref<1x128xi32, #tpu.memory_space<vmem>> -> memref<128xi32, #tpu.memory_space<vmem>>
    %dma_start3A_131 = arith.constant 0 : i32
    %dma_start3A_132 = arith.constant 0 : i32
    %dma_start3A_133 = tpu.memref_slice %arg6[%dma_start3A_131, %dma_start3A_132] : memref<125000x128xf32, #tpu.memory_space<hbm>> -> memref<125000x128xf32, #tpu.memory_space<hbm>>
    tpu.enqueue_indirect_dma source(%dma_start3A_133 : memref<125000x128xf32, #tpu.memory_space<hbm>>) target(%dma_start3A_127 : memref<128x128xf32, #tpu.memory_space<vmem>>) offsets(%dma_start3A_130 : memref<128xi32, #tpu.memory_space<vmem>>) semaphore(%arg20 : memref<!tpu.dma_semaphore, #tpu.memory_space<semaphore_mem>>)
    %dma_start3A_134 = arith.constant 1 : i32
    %dma_start3A_135 = arith.constant 128 : i32
    %dma_start3A_136 = arith.constant 0 : i32
    %dma_start3A_137 = tpu.memref_slice %arg14[%dma_start3A_135, %dma_start3A_136] : memref<256x128xf32, #tpu.memory_space<vmem>> -> memref<128x128xf32, #tpu.memory_space<vmem>>
    %dma_start3A_138 = arith.constant 0 : i32
    %dma_start3A_139 = tpu.memref_slice %arg11[%dma_start3A_134, %dma_start3A_138] : memref<4x128xi32, #tpu.memory_space<vmem>> -> memref<1x128xi32, #tpu.memory_space<vmem>>
    %dma_start3A_140 = tpu.memref_squeeze %dma_start3A_139 : memref<1x128xi32, #tpu.memory_space<vmem>> -> memref<128xi32, #tpu.memory_space<vmem>>
    %dma_start3A_141 = arith.constant 0 : i32
    %dma_start3A_142 = arith.constant 0 : i32
    %dma_start3A_143 = tpu.memref_slice %arg6[%dma_start3A_141, %dma_start3A_142] : memref<125000x128xf32, #tpu.memory_space<hbm>> -> memref<125000x128xf32, #tpu.memory_space<hbm>>
    tpu.enqueue_indirect_dma source(%dma_start3A_143 : memref<125000x128xf32, #tpu.memory_space<hbm>>) target(%dma_start3A_137 : memref<128x128xf32, #tpu.memory_space<vmem>>) offsets(%dma_start3A_140 : memref<128xi32, #tpu.memory_space<vmem>>) semaphore(%arg20 : memref<!tpu.dma_semaphore, #tpu.memory_space<semaphore_mem>>)
    %dma_start3A_144 = arith.constant 1 : i32
    %dma_start3A_145 = arith.constant 128 : i32
    %dma_start3A_146 = arith.constant 0 : i32
    %dma_start3A_147 = tpu.memref_slice %arg15[%dma_start3A_145, %dma_start3A_146] : memref<256x128xf32, #tpu.memory_space<vmem>> -> memref<128x128xf32, #tpu.memory_space<vmem>>
    %dma_start3A_148 = arith.constant 0 : i32
    %dma_start3A_149 = tpu.memref_slice %arg13[%dma_start3A_144, %dma_start3A_148] : memref<4x128xi32, #tpu.memory_space<vmem>> -> memref<1x128xi32, #tpu.memory_space<vmem>>
    %dma_start3A_150 = tpu.memref_squeeze %dma_start3A_149 : memref<1x128xi32, #tpu.memory_space<vmem>> -> memref<128xi32, #tpu.memory_space<vmem>>
    %dma_start3A_151 = arith.constant 0 : i32
    %dma_start3A_152 = arith.constant 0 : i32
    %dma_start3A_153 = tpu.memref_slice %arg6[%dma_start3A_151, %dma_start3A_152] : memref<125000x128xf32, #tpu.memory_space<hbm>> -> memref<125000x128xf32, #tpu.memory_space<hbm>>
    tpu.enqueue_indirect_dma source(%dma_start3A_153 : memref<125000x128xf32, #tpu.memory_space<hbm>>) target(%dma_start3A_147 : memref<128x128xf32, #tpu.memory_space<vmem>>) offsets(%dma_start3A_150 : memref<128xi32, #tpu.memory_space<vmem>>) semaphore(%arg20 : memref<!tpu.dma_semaphore, #tpu.memory_space<semaphore_mem>>)
    %dma_wait3A = arith.constant 0 : i32
    %dma_wait3A_154 = arith.constant 0 : i32
    %dma_wait3A_155 = arith.constant 0 : i32
    %dma_wait3A_156 = tpu.memref_slice %arg14[%dma_wait3A_154, %dma_wait3A_155] : memref<256x128xf32, #tpu.memory_space<vmem>> -> memref<128x128xf32, #tpu.memory_space<vmem>>
    %dma_wait3A_157 = arith.constant 0 : i32
    %dma_wait3A_158 = tpu.memref_slice %arg11[%dma_wait3A, %dma_wait3A_157] : memref<4x128xi32, #tpu.memory_space<vmem>> -> memref<1x128xi32, #tpu.memory_space<vmem>>
    %dma_wait3A_159 = tpu.memref_squeeze %dma_wait3A_158 : memref<1x128xi32, #tpu.memory_space<vmem>> -> memref<128xi32, #tpu.memory_space<vmem>>
    %dma_wait3A_160 = arith.constant 0 : i32
    %dma_wait3A_161 = arith.constant 0 : i32
    %dma_wait3A_162 = tpu.memref_slice %arg6[%dma_wait3A_160, %dma_wait3A_161] : memref<125000x128xf32, #tpu.memory_space<hbm>> -> memref<125000x128xf32, #tpu.memory_space<hbm>>
    tpu.wait_indirect_dma semaphore(%arg20 : memref<!tpu.dma_semaphore, #tpu.memory_space<semaphore_mem>>) src(%dma_wait3A_162 : memref<125000x128xf32, #tpu.memory_space<hbm>>) dst(%dma_wait3A_156 : memref<128x128xf32, #tpu.memory_space<vmem>>)
    %dma_wait3A_163 = arith.constant 0 : i32
    %dma_wait3A_164 = arith.constant 0 : i32
    %dma_wait3A_165 = arith.constant 0 : i32
    %dma_wait3A_166 = tpu.memref_slice %arg15[%dma_wait3A_164, %dma_wait3A_165] : memref<256x128xf32, #tpu.memory_space<vmem>> -> memref<128x128xf32, #tpu.memory_space<vmem>>
    %dma_wait3A_167 = arith.constant 0 : i32
    %dma_wait3A_168 = tpu.memref_slice %arg13[%dma_wait3A_163, %dma_wait3A_167] : memref<4x128xi32, #tpu.memory_space<vmem>> -> memref<1x128xi32, #tpu.memory_space<vmem>>
    %dma_wait3A_169 = tpu.memref_squeeze %dma_wait3A_168 : memref<1x128xi32, #tpu.memory_space<vmem>> -> memref<128xi32, #tpu.memory_space<vmem>>
    %dma_wait3A_170 = arith.constant 0 : i32
    %dma_wait3A_171 = arith.constant 0 : i32
    %dma_wait3A_172 = tpu.memref_slice %arg6[%dma_wait3A_170, %dma_wait3A_171] : memref<125000x128xf32, #tpu.memory_space<hbm>> -> memref<125000x128xf32, #tpu.memory_space<hbm>>
    tpu.wait_indirect_dma semaphore(%arg20 : memref<!tpu.dma_semaphore, #tpu.memory_space<semaphore_mem>>) src(%dma_wait3A_172 : memref<125000x128xf32, #tpu.memory_space<hbm>>) dst(%dma_wait3A_166 : memref<128x128xf32, #tpu.memory_space<vmem>>)
    %dma_wait3A_173 = arith.constant 1 : i32
    %dma_wait3A_174 = arith.constant 128 : i32
    %dma_wait3A_175 = arith.constant 0 : i32
    %dma_wait3A_176 = tpu.memref_slice %arg14[%dma_wait3A_174, %dma_wait3A_175] : memref<256x128xf32, #tpu.memory_space<vmem>> -> memref<128x128xf32, #tpu.memory_space<vmem>>
    %dma_wait3A_177 = arith.constant 0 : i32
    %dma_wait3A_178 = tpu.memref_slice %arg11[%dma_wait3A_173, %dma_wait3A_177] : memref<4x128xi32, #tpu.memory_space<vmem>> -> memref<1x128xi32, #tpu.memory_space<vmem>>
    %dma_wait3A_179 = tpu.memref_squeeze %dma_wait3A_178 : memref<1x128xi32, #tpu.memory_space<vmem>> -> memref<128xi32, #tpu.memory_space<vmem>>
    %dma_wait3A_180 = arith.constant 0 : i32
    %dma_wait3A_181 = arith.constant 0 : i32
    %dma_wait3A_182 = tpu.memref_slice %arg6[%dma_wait3A_180, %dma_wait3A_181] : memref<125000x128xf32, #tpu.memory_space<hbm>> -> memref<125000x128xf32, #tpu.memory_space<hbm>>
    tpu.wait_indirect_dma semaphore(%arg20 : memref<!tpu.dma_semaphore, #tpu.memory_space<semaphore_mem>>) src(%dma_wait3A_182 : memref<125000x128xf32, #tpu.memory_space<hbm>>) dst(%dma_wait3A_176 : memref<128x128xf32, #tpu.memory_space<vmem>>)
    %dma_wait3A_183 = arith.constant 1 : i32
    %dma_wait3A_184 = arith.constant 128 : i32
    %dma_wait3A_185 = arith.constant 0 : i32
    %dma_wait3A_186 = tpu.memref_slice %arg15[%dma_wait3A_184, %dma_wait3A_185] : memref<256x128xf32, #tpu.memory_space<vmem>> -> memref<128x128xf32, #tpu.memory_space<vmem>>
    %dma_wait3A_187 = arith.constant 0 : i32
    %dma_wait3A_188 = tpu.memref_slice %arg13[%dma_wait3A_183, %dma_wait3A_187] : memref<4x128xi32, #tpu.memory_space<vmem>> -> memref<1x128xi32, #tpu.memory_space<vmem>>
    %dma_wait3A_189 = tpu.memref_squeeze %dma_wait3A_188 : memref<1x128xi32, #tpu.memory_space<vmem>> -> memref<128xi32, #tpu.memory_space<vmem>>
    %dma_wait3A_190 = arith.constant 0 : i32
    %dma_wait3A_191 = arith.constant 0 : i32
    %dma_wait3A_192 = tpu.memref_slice %arg6[%dma_wait3A_190, %dma_wait3A_191] : memref<125000x128xf32, #tpu.memory_space<hbm>> -> memref<125000x128xf32, #tpu.memory_space<hbm>>
    tpu.wait_indirect_dma semaphore(%arg20 : memref<!tpu.dma_semaphore, #tpu.memory_space<semaphore_mem>>) src(%dma_wait3A_192 : memref<125000x128xf32, #tpu.memory_space<hbm>>) dst(%dma_wait3A_186 : memref<128x128xf32, #tpu.memory_space<vmem>>)
    %scan3A = arith.constant 0 : i32
    %scan3A_193 = arith.constant 0 : i32
    %scan3A_194 = arith.constant 16 : i32
    %scan3A_195 = arith.addi %scan3A_193, %scan3A_194 : i32
    %scan3A_196 = arith.constant 1 : i32
    scf.for %scan3A_284 = %scan3A_193 to %scan3A_195 step %scan3A_196  : i32 {
      %mul3A_285 = arith.constant 16 : i32
      %mul3A_286 = arith.muli %scan3A_284, %mul3A_285 : i32
      %add3A_287 = vector.broadcast %mul3A_286 : i32 to vector<16xi32>
      %add3A_288 = arith.addi %add3A_287, %iota3A : vector<16xi32>
      %jit3A = arith.constant 8 : i32
      %div3A_289 = arith.divsi %scan3A_284, %jit3A : i32
      %sign3A = arith.constant 0 : i32
      %sign3A_290 = arith.cmpi sgt, %scan3A_284, %sign3A : i32
      %sign3A_291 = arith.extui %sign3A_290 : i1 to i32
      %sign3A_292 = arith.constant 0 : i32
      %sign3A_293 = arith.cmpi slt, %scan3A_284, %sign3A_292 : i32
      %sign3A_294 = arith.extui %sign3A_293 : i1 to i32
      %sign3A_295 = arith.subi %sign3A_291, %sign3A_294 : i32
      %sign3A_296 = arith.constant 0 : i32
      %sign3A_297 = arith.cmpi sgt, %jit3A, %sign3A_296 : i32
      %sign3A_298 = arith.extui %sign3A_297 : i1 to i32
      %sign3A_299 = arith.constant 0 : i32
      %sign3A_300 = arith.cmpi slt, %jit3A, %sign3A_299 : i32
      %sign3A_301 = arith.extui %sign3A_300 : i1 to i32
      %sign3A_302 = arith.subi %sign3A_298, %sign3A_301 : i32
      %ne3A = arith.cmpi ne, %sign3A_295, %sign3A_302 : i32
      %rem3A = arith.remsi %scan3A_284, %jit3A : i32
      %ne3A_303 = arith.constant 0 : i32
      %ne3A_304 = arith.cmpi ne, %rem3A, %ne3A_303 : i32
      %and3A = arith.andi %ne3A, %ne3A_304 : i1
      %sub3A = arith.constant 1 : i32
      %sub3A_305 = arith.subi %div3A_289, %sub3A : i32
      %select_n3A = arith.select %and3A, %sub3A_305, %div3A_289 : i32
      %add3A_306 = arith.constant 0 : i32
      %add3A_307 = arith.addi %add3A_306, %select_n3A : i32
      %jit3A_308 = arith.constant 8 : i32
      %eq3A = arith.constant 0 : i32
      %eq3A_309 = arith.cmpi eq, %jit3A_308, %eq3A : i32
      %jit3A_310 = arith.constant 1 : i32
      %select_n3A_311 = arith.select %eq3A_309, %jit3A_310, %jit3A_308 : i32
      %rem3A_312 = arith.remsi %scan3A_284, %select_n3A_311 : i32
      %ne3A_313 = arith.constant 0 : i32
      %ne3A_314 = arith.cmpi ne, %rem3A_312, %ne3A_313 : i32
      %lt3A = arith.constant 0 : i32
      %lt3A_315 = arith.cmpi slt, %rem3A_312, %lt3A : i32
      %lt3A_316 = arith.constant 0 : i32
      %lt3A_317 = arith.cmpi slt, %select_n3A_311, %lt3A_316 : i32
      %ne3A_318 = arith.xori %lt3A_315, %lt3A_317 : i1
      %and3A_319 = arith.andi %ne3A_318, %ne3A_314 : i1
      %add3A_320 = arith.addi %rem3A_312, %select_n3A_311 : i32
      %select_n3A_321 = arith.select %and3A_319, %add3A_320, %rem3A_312 : i32
      %mul3A_322 = arith.constant 16 : i32
      %mul3A_323 = arith.muli %select_n3A_321, %mul3A_322 : i32
      %get3A_324 = arith.index_cast %add3A_307 : i32 to index
      %get3A_325 = arith.index_cast %mul3A_323 : i32 to index
      %get3A_326 = tpu.vector_load %arg10[%get3A_324, %get3A_325] {strides = array<i32>} : memref<4x128xi32, #tpu.memory_space<vmem>>, vector<16xi32>,
      %get3A_327 = arith.index_cast %add3A_307 : i32 to index
      %get3A_328 = arith.index_cast %mul3A_323 : i32 to index
      %get3A_329 = tpu.vector_load %arg12[%get3A_327, %get3A_328] {strides = array<i32>} : memref<4x128xi32, #tpu.memory_space<vmem>>, vector<16xi32>,
      %and3A_330 = arith.andi %get3A_326, %broadcast_in_dim3A_114 : vector<16xi32>
      %mul3A_331 = arith.constant 16 : i32
      %mul3A_332 = vector.broadcast %mul3A_331 : i32 to vector<16xi32>
      %mul3A_333 = arith.muli %and3A_330, %mul3A_332 : vector<16xi32>
      %and3A_334 = arith.andi %get3A_329, %broadcast_in_dim3A_114 : vector<16xi32>
      %mul3A_335 = arith.constant 16 : i32
      %mul3A_336 = vector.broadcast %mul3A_335 : i32 to vector<16xi32>
      %mul3A_337 = arith.muli %and3A_334, %mul3A_336 : vector<16xi32>
      %broadcast_in_dim3A_338 = arith.constant 0.000000e+00 : f32
      %broadcast_in_dim3A_339 = vector.broadcast %broadcast_in_dim3A_338 : f32 to vector<16xf32>
      %broadcast_in_dim3A_340 = arith.constant 0.000000e+00 : f32
      %broadcast_in_dim3A_341 = vector.broadcast %broadcast_in_dim3A_340 : f32 to vector<16xf32>
      %add3A_342 = arith.constant 0 : i32
      %add3A_343 = vector.broadcast %add3A_342 : i32 to vector<16xi32>
      %add3A_344 = arith.addi %mul3A_333, %add3A_343 : vector<16xi32>
      %gather3A = tpu.vector_load_idx %arg14[%add3A_288, %add3A_344] : memref<256x128xf32, #tpu.memory_space<vmem>>[vector<16xi32>, vector<16xi32>], vector<16xf32>,
      %add3A_345 = arith.constant 0 : i32
      %add3A_346 = vector.broadcast %add3A_345 : i32 to vector<16xi32>
      %add3A_347 = arith.addi %mul3A_337, %add3A_346 : vector<16xi32>
      %gather3A_348 = tpu.vector_load_idx %arg15[%add3A_288, %add3A_347] : memref<256x128xf32, #tpu.memory_space<vmem>>[vector<16xi32>, vector<16xi32>], vector<16xf32>,
      %sub3A_349 = arith.subf %gather3A, %gather3A_348 : vector<16xf32>
      %mul3A_350 = arith.mulf %sub3A_349, %sub3A_349 : vector<16xf32>
      %add3A_351 = arith.addf %broadcast_in_dim3A_339, %mul3A_350 : vector<16xf32>
      %mul3A_352 = arith.mulf %gather3A, %gather3A : vector<16xf32>
      %mul3A_353 = arith.mulf %gather3A_348, %gather3A_348 : vector<16xf32>
      %add3A_354 = arith.addf %mul3A_352, %mul3A_353 : vector<16xf32>
      %get3A_355 = arith.constant 0 : index
      %get3A_356 = tpu.vector_load %arg17[%get3A_355] {strides = array<i32>} : memref<256xf32, #tpu.memory_space<vmem>>, vector<16xf32>,
      %mul3A_357 = arith.mulf %add3A_354, %get3A_356 : vector<16xf32>
      %add3A_358 = arith.addf %broadcast_in_dim3A_341, %mul3A_357 : vector<16xf32>
      %add3A_359 = arith.constant 1 : i32
      %add3A_360 = vector.broadcast %add3A_359 : i32 to vector<16xi32>
      %add3A_361 = arith.addi %mul3A_333, %add3A_360 : vector<16xi32>
      %gather3A_362 = tpu.vector_load_idx %arg14[%add3A_288, %add3A_361] : memref<256x128xf32, #tpu.memory_space<vmem>>[vector<16xi32>, vector<16xi32>], vector<16xf32>,
      %add3A_363 = arith.constant 1 : i32
      %add3A_364 = vector.broadcast %add3A_363 : i32 to vector<16xi32>
      %add3A_365 = arith.addi %mul3A_337, %add3A_364 : vector<16xi32>
      %gather3A_366 = tpu.vector_load_idx %arg15[%add3A_288, %add3A_365] : memref<256x128xf32, #tpu.memory_space<vmem>>[vector<16xi32>, vector<16xi32>], vector<16xf32>,
      %sub3A_367 = arith.subf %gather3A_362, %gather3A_366 : vector<16xf32>
      %mul3A_368 = arith.mulf %sub3A_367, %sub3A_367 : vector<16xf32>
      %add3A_369 = arith.addf %add3A_351, %mul3A_368 : vector<16xf32>
      %mul3A_370 = arith.mulf %gather3A_362, %gather3A_362 : vector<16xf32>
      %mul3A_371 = arith.mulf %gather3A_366, %gather3A_366 : vector<16xf32>
      %add3A_372 = arith.addf %mul3A_370, %mul3A_371 : vector<16xf32>
      %get3A_373 = arith.constant 16 : index
      %get3A_374 = tpu.vector_load %arg17[%get3A_373] {strides = array<i32>} : memref<256xf32, #tpu.memory_space<vmem>>, vector<16xf32>,
      %mul3A_375 = arith.mulf %add3A_372, %get3A_374 : vector<16xf32>
      %add3A_376 = arith.addf %add3A_358, %mul3A_375 : vector<16xf32>
      %add3A_377 = arith.constant 2 : i32
      %add3A_378 = vector.broadcast %add3A_377 : i32 to vector<16xi32>
      %add3A_379 = arith.addi %mul3A_333, %add3A_378 : vector<16xi32>
      %gather3A_380 = tpu.vector_load_idx %arg14[%add3A_288, %add3A_379] : memref<256x128xf32, #tpu.memory_space<vmem>>[vector<16xi32>, vector<16xi32>], vector<16xf32>,
      %add3A_381 = arith.constant 2 : i32
      %add3A_382 = vector.broadcast %add3A_381 : i32 to vector<16xi32>
      %add3A_383 = arith.addi %mul3A_337, %add3A_382 : vector<16xi32>
      %gather3A_384 = tpu.vector_load_idx %arg15[%add3A_288, %add3A_383] : memref<256x128xf32, #tpu.memory_space<vmem>>[vector<16xi32>, vector<16xi32>], vector<16xf32>,
      %sub3A_385 = arith.subf %gather3A_380, %gather3A_384 : vector<16xf32>
      %mul3A_386 = arith.mulf %sub3A_385, %sub3A_385 : vector<16xf32>
      %add3A_387 = arith.addf %add3A_369, %mul3A_386 : vector<16xf32>
      %mul3A_388 = arith.mulf %gather3A_380, %gather3A_380 : vector<16xf32>
      %mul3A_389 = arith.mulf %gather3A_384, %gather3A_384 : vector<16xf32>
      %add3A_390 = arith.addf %mul3A_388, %mul3A_389 : vector<16xf32>
      %get3A_391 = arith.constant 32 : index
      %get3A_392 = tpu.vector_load %arg17[%get3A_391] {strides = array<i32>} : memref<256xf32, #tpu.memory_space<vmem>>, vector<16xf32>,
      %mul3A_393 = arith.mulf %add3A_390, %get3A_392 : vector<16xf32>
      %add3A_394 = arith.addf %add3A_376, %mul3A_393 : vector<16xf32>
      %add3A_395 = arith.constant 3 : i32
      %add3A_396 = vector.broadcast %add3A_395 : i32 to vector<16xi32>
      %add3A_397 = arith.addi %mul3A_333, %add3A_396 : vector<16xi32>
      %gather3A_398 = tpu.vector_load_idx %arg14[%add3A_288, %add3A_397] : memref<256x128xf32, #tpu.memory_space<vmem>>[vector<16xi32>, vector<16xi32>], vector<16xf32>,
      %add3A_399 = arith.constant 3 : i32
      %add3A_400 = vector.broadcast %add3A_399 : i32 to vector<16xi32>
      %add3A_401 = arith.addi %mul3A_337, %add3A_400 : vector<16xi32>
      %gather3A_402 = tpu.vector_load_idx %arg15[%add3A_288, %add3A_401] : memref<256x128xf32, #tpu.memory_space<vmem>>[vector<16xi32>, vector<16xi32>], vector<16xf32>,
      %sub3A_403 = arith.subf %gather3A_398, %gather3A_402 : vector<16xf32>
      %mul3A_404 = arith.mulf %sub3A_403, %sub3A_403 : vector<16xf32>
      %add3A_405 = arith.addf %add3A_387, %mul3A_404 : vector<16xf32>
      %mul3A_406 = arith.mulf %gather3A_398, %gather3A_398 : vector<16xf32>
      %mul3A_407 = arith.mulf %gather3A_402, %gather3A_402 : vector<16xf32>
      %add3A_408 = arith.addf %mul3A_406, %mul3A_407 : vector<16xf32>
      %get3A_409 = arith.constant 48 : index
      %get3A_410 = tpu.vector_load %arg17[%get3A_409] {strides = array<i32>} : memref<256xf32, #tpu.memory_space<vmem>>, vector<16xf32>,
      %mul3A_411 = arith.mulf %add3A_408, %get3A_410 : vector<16xf32>
      %add3A_412 = arith.addf %add3A_394, %mul3A_411 : vector<16xf32>
      %add3A_413 = arith.constant 4 : i32
      %add3A_414 = vector.broadcast %add3A_413 : i32 to vector<16xi32>
      %add3A_415 = arith.addi %mul3A_333, %add3A_414 : vector<16xi32>
      %gather3A_416 = tpu.vector_load_idx %arg14[%add3A_288, %add3A_415] : memref<256x128xf32, #tpu.memory_space<vmem>>[vector<16xi32>, vector<16xi32>], vector<16xf32>,
      %add3A_417 = arith.constant 4 : i32
      %add3A_418 = vector.broadcast %add3A_417 : i32 to vector<16xi32>
      %add3A_419 = arith.addi %mul3A_337, %add3A_418 : vector<16xi32>
      %gather3A_420 = tpu.vector_load_idx %arg15[%add3A_288, %add3A_419] : memref<256x128xf32, #tpu.memory_space<vmem>>[vector<16xi32>, vector<16xi32>], vector<16xf32>,
      %sub3A_421 = arith.subf %gather3A_416, %gather3A_420 : vector<16xf32>
      %mul3A_422 = arith.mulf %sub3A_421, %sub3A_421 : vector<16xf32>
      %add3A_423 = arith.addf %add3A_405, %mul3A_422 : vector<16xf32>
      %mul3A_424 = arith.mulf %gather3A_416, %gather3A_416 : vector<16xf32>
      %mul3A_425 = arith.mulf %gather3A_420, %gather3A_420 : vector<16xf32>
      %add3A_426 = arith.addf %mul3A_424, %mul3A_425 : vector<16xf32>
      %get3A_427 = arith.constant 64 : index
      %get3A_428 = tpu.vector_load %arg17[%get3A_427] {strides = array<i32>} : memref<256xf32, #tpu.memory_space<vmem>>, vector<16xf32>,
      %mul3A_429 = arith.mulf %add3A_426, %get3A_428 : vector<16xf32>
      %add3A_430 = arith.addf %add3A_412, %mul3A_429 : vector<16xf32>
      %add3A_431 = arith.constant 5 : i32
      %add3A_432 = vector.broadcast %add3A_431 : i32 to vector<16xi32>
      %add3A_433 = arith.addi %mul3A_333, %add3A_432 : vector<16xi32>
      %gather3A_434 = tpu.vector_load_idx %arg14[%add3A_288, %add3A_433] : memref<256x128xf32, #tpu.memory_space<vmem>>[vector<16xi32>, vector<16xi32>], vector<16xf32>,
      %add3A_435 = arith.constant 5 : i32
      %add3A_436 = vector.broadcast %add3A_435 : i32 to vector<16xi32>
      %add3A_437 = arith.addi %mul3A_337, %add3A_436 : vector<16xi32>
      %gather3A_438 = tpu.vector_load_idx %arg15[%add3A_288, %add3A_437] : memref<256x128xf32, #tpu.memory_space<vmem>>[vector<16xi32>, vector<16xi32>], vector<16xf32>,
      %sub3A_439 = arith.subf %gather3A_434, %gather3A_438 : vector<16xf32>
      %mul3A_440 = arith.mulf %sub3A_439, %sub3A_439 : vector<16xf32>
      %add3A_441 = arith.addf %add3A_423, %mul3A_440 : vector<16xf32>
      %mul3A_442 = arith.mulf %gather3A_434, %gather3A_434 : vector<16xf32>
      %mul3A_443 = arith.mulf %gather3A_438, %gather3A_438 : vector<16xf32>
      %add3A_444 = arith.addf %mul3A_442, %mul3A_443 : vector<16xf32>
      %get3A_445 = arith.constant 80 : index
      %get3A_446 = tpu.vector_load %arg17[%get3A_445] {strides = array<i32>} : memref<256xf32, #tpu.memory_space<vmem>>, vector<16xf32>,
      %mul3A_447 = arith.mulf %add3A_444, %get3A_446 : vector<16xf32>
      %add3A_448 = arith.addf %add3A_430, %mul3A_447 : vector<16xf32>
      %add3A_449 = arith.constant 6 : i32
      %add3A_450 = vector.broadcast %add3A_449 : i32 to vector<16xi32>
      %add3A_451 = arith.addi %mul3A_333, %add3A_450 : vector<16xi32>
      %gather3A_452 = tpu.vector_load_idx %arg14[%add3A_288, %add3A_451] : memref<256x128xf32, #tpu.memory_space<vmem>>[vector<16xi32>, vector<16xi32>], vector<16xf32>,
      %add3A_453 = arith.constant 6 : i32
      %add3A_454 = vector.broadcast %add3A_453 : i32 to vector<16xi32>
      %add3A_455 = arith.addi %mul3A_337, %add3A_454 : vector<16xi32>
      %gather3A_456 = tpu.vector_load_idx %arg15[%add3A_288, %add3A_455] : memref<256x128xf32, #tpu.memory_space<vmem>>[vector<16xi32>, vector<16xi32>], vector<16xf32>,
      %sub3A_457 = arith.subf %gather3A_452, %gather3A_456 : vector<16xf32>
      %mul3A_458 = arith.mulf %sub3A_457, %sub3A_457 : vector<16xf32>
      %add3A_459 = arith.addf %add3A_441, %mul3A_458 : vector<16xf32>
      %mul3A_460 = arith.mulf %gather3A_452, %gather3A_452 : vector<16xf32>
      %mul3A_461 = arith.mulf %gather3A_456, %gather3A_456 : vector<16xf32>
      %add3A_462 = arith.addf %mul3A_460, %mul3A_461 : vector<16xf32>
      %get3A_463 = arith.constant 96 : index
      %get3A_464 = tpu.vector_load %arg17[%get3A_463] {strides = array<i32>} : memref<256xf32, #tpu.memory_space<vmem>>, vector<16xf32>,
      %mul3A_465 = arith.mulf %add3A_462, %get3A_464 : vector<16xf32>
      %add3A_466 = arith.addf %add3A_448, %mul3A_465 : vector<16xf32>
      %add3A_467 = arith.constant 7 : i32
      %add3A_468 = vector.broadcast %add3A_467 : i32 to vector<16xi32>
      %add3A_469 = arith.addi %mul3A_333, %add3A_468 : vector<16xi32>
      %gather3A_470 = tpu.vector_load_idx %arg14[%add3A_288, %add3A_469] : memref<256x128xf32, #tpu.memory_space<vmem>>[vector<16xi32>, vector<16xi32>], vector<16xf32>,
      %add3A_471 = arith.constant 7 : i32
      %add3A_472 = vector.broadcast %add3A_471 : i32 to vector<16xi32>
      %add3A_473 = arith.addi %mul3A_337, %add3A_472 : vector<16xi32>
      %gather3A_474 = tpu.vector_load_idx %arg15[%add3A_288, %add3A_473] : memref<256x128xf32, #tpu.memory_space<vmem>>[vector<16xi32>, vector<16xi32>], vector<16xf32>,
      %sub3A_475 = arith.subf %gather3A_470, %gather3A_474 : vector<16xf32>
      %mul3A_476 = arith.mulf %sub3A_475, %sub3A_475 : vector<16xf32>
      %add3A_477 = arith.addf %add3A_459, %mul3A_476 : vector<16xf32>
      %mul3A_478 = arith.mulf %gather3A_470, %gather3A_470 : vector<16xf32>
      %mul3A_479 = arith.mulf %gather3A_474, %gather3A_474 : vector<16xf32>
      %add3A_480 = arith.addf %mul3A_478, %mul3A_479 : vector<16xf32>
      %get3A_481 = arith.constant 112 : index
      %get3A_482 = tpu.vector_load %arg17[%get3A_481] {strides = array<i32>} : memref<256xf32, #tpu.memory_space<vmem>>, vector<16xf32>,
      %mul3A_483 = arith.mulf %add3A_480, %get3A_482 : vector<16xf32>
      %add3A_484 = arith.addf %add3A_466, %mul3A_483 : vector<16xf32>
      %add3A_485 = arith.constant 8 : i32
      %add3A_486 = vector.broadcast %add3A_485 : i32 to vector<16xi32>
      %add3A_487 = arith.addi %mul3A_333, %add3A_486 : vector<16xi32>
      %gather3A_488 = tpu.vector_load_idx %arg14[%add3A_288, %add3A_487] : memref<256x128xf32, #tpu.memory_space<vmem>>[vector<16xi32>, vector<16xi32>], vector<16xf32>,
      %add3A_489 = arith.constant 8 : i32
      %add3A_490 = vector.broadcast %add3A_489 : i32 to vector<16xi32>
      %add3A_491 = arith.addi %mul3A_337, %add3A_490 : vector<16xi32>
      %gather3A_492 = tpu.vector_load_idx %arg15[%add3A_288, %add3A_491] : memref<256x128xf32, #tpu.memory_space<vmem>>[vector<16xi32>, vector<16xi32>], vector<16xf32>,
      %sub3A_493 = arith.subf %gather3A_488, %gather3A_492 : vector<16xf32>
      %mul3A_494 = arith.mulf %sub3A_493, %sub3A_493 : vector<16xf32>
      %add3A_495 = arith.addf %add3A_477, %mul3A_494 : vector<16xf32>
      %mul3A_496 = arith.mulf %gather3A_488, %gather3A_488 : vector<16xf32>
      %mul3A_497 = arith.mulf %gather3A_492, %gather3A_492 : vector<16xf32>
      %add3A_498 = arith.addf %mul3A_496, %mul3A_497 : vector<16xf32>
      %get3A_499 = arith.constant 128 : index
      %get3A_500 = tpu.vector_load %arg17[%get3A_499] {strides = array<i32>} : memref<256xf32, #tpu.memory_space<vmem>>, vector<16xf32>,
      %mul3A_501 = arith.mulf %add3A_498, %get3A_500 : vector<16xf32>
      %add3A_502 = arith.addf %add3A_484, %mul3A_501 : vector<16xf32>
      %add3A_503 = arith.constant 9 : i32
      %add3A_504 = vector.broadcast %add3A_503 : i32 to vector<16xi32>
      %add3A_505 = arith.addi %mul3A_333, %add3A_504 : vector<16xi32>
      %gather3A_506 = tpu.vector_load_idx %arg14[%add3A_288, %add3A_505] : memref<256x128xf32, #tpu.memory_space<vmem>>[vector<16xi32>, vector<16xi32>], vector<16xf32>,
      %add3A_507 = arith.constant 9 : i32
      %add3A_508 = vector.broadcast %add3A_507 : i32 to vector<16xi32>
      %add3A_509 = arith.addi %mul3A_337, %add3A_508 : vector<16xi32>
      %gather3A_510 = tpu.vector_load_idx %arg15[%add3A_288, %add3A_509] : memref<256x128xf32, #tpu.memory_space<vmem>>[vector<16xi32>, vector<16xi32>], vector<16xf32>,
      %sub3A_511 = arith.subf %gather3A_506, %gather3A_510 : vector<16xf32>
      %mul3A_512 = arith.mulf %sub3A_511, %sub3A_511 : vector<16xf32>
      %add3A_513 = arith.addf %add3A_495, %mul3A_512 : vector<16xf32>
      %mul3A_514 = arith.mulf %gather3A_506, %gather3A_506 : vector<16xf32>
      %mul3A_515 = arith.mulf %gather3A_510, %gather3A_510 : vector<16xf32>
      %add3A_516 = arith.addf %mul3A_514, %mul3A_515 : vector<16xf32>
      %get3A_517 = arith.constant 144 : index
      %get3A_518 = tpu.vector_load %arg17[%get3A_517] {strides = array<i32>} : memref<256xf32, #tpu.memory_space<vmem>>, vector<16xf32>,
      %mul3A_519 = arith.mulf %add3A_516, %get3A_518 : vector<16xf32>
      %add3A_520 = arith.addf %add3A_502, %mul3A_519 : vector<16xf32>
      %add3A_521 = arith.constant 10 : i32
      %add3A_522 = vector.broadcast %add3A_521 : i32 to vector<16xi32>
      %add3A_523 = arith.addi %mul3A_333, %add3A_522 : vector<16xi32>
      %gather3A_524 = tpu.vector_load_idx %arg14[%add3A_288, %add3A_523] : memref<256x128xf32, #tpu.memory_space<vmem>>[vector<16xi32>, vector<16xi32>], vector<16xf32>,
      %add3A_525 = arith.constant 10 : i32
      %add3A_526 = vector.broadcast %add3A_525 : i32 to vector<16xi32>
      %add3A_527 = arith.addi %mul3A_337, %add3A_526 : vector<16xi32>
      %gather3A_528 = tpu.vector_load_idx %arg15[%add3A_288, %add3A_527] : memref<256x128xf32, #tpu.memory_space<vmem>>[vector<16xi32>, vector<16xi32>], vector<16xf32>,
      %sub3A_529 = arith.subf %gather3A_524, %gather3A_528 : vector<16xf32>
      %mul3A_530 = arith.mulf %sub3A_529, %sub3A_529 : vector<16xf32>
      %add3A_531 = arith.addf %add3A_513, %mul3A_530 : vector<16xf32>
      %mul3A_532 = arith.mulf %gather3A_524, %gather3A_524 : vector<16xf32>
      %mul3A_533 = arith.mulf %gather3A_528, %gather3A_528 : vector<16xf32>
      %add3A_534 = arith.addf %mul3A_532, %mul3A_533 : vector<16xf32>
      %get3A_535 = arith.constant 160 : index
      %get3A_536 = tpu.vector_load %arg17[%get3A_535] {strides = array<i32>} : memref<256xf32, #tpu.memory_space<vmem>>, vector<16xf32>,
      %mul3A_537 = arith.mulf %add3A_534, %get3A_536 : vector<16xf32>
      %add3A_538 = arith.addf %add3A_520, %mul3A_537 : vector<16xf32>
      %add3A_539 = arith.constant 11 : i32
      %add3A_540 = vector.broadcast %add3A_539 : i32 to vector<16xi32>
      %add3A_541 = arith.addi %mul3A_333, %add3A_540 : vector<16xi32>
      %gather3A_542 = tpu.vector_load_idx %arg14[%add3A_288, %add3A_541] : memref<256x128xf32, #tpu.memory_space<vmem>>[vector<16xi32>, vector<16xi32>], vector<16xf32>,
      %add3A_543 = arith.constant 11 : i32
      %add3A_544 = vector.broadcast %add3A_543 : i32 to vector<16xi32>
      %add3A_545 = arith.addi %mul3A_337, %add3A_544 : vector<16xi32>
      %gather3A_546 = tpu.vector_load_idx %arg15[%add3A_288, %add3A_545] : memref<256x128xf32, #tpu.memory_space<vmem>>[vector<16xi32>, vector<16xi32>], vector<16xf32>,
      %sub3A_547 = arith.subf %gather3A_542, %gather3A_546 : vector<16xf32>
      %mul3A_548 = arith.mulf %sub3A_547, %sub3A_547 : vector<16xf32>
      %add3A_549 = arith.addf %add3A_531, %mul3A_548 : vector<16xf32>
      %mul3A_550 = arith.mulf %gather3A_542, %gather3A_542 : vector<16xf32>
      %mul3A_551 = arith.mulf %gather3A_546, %gather3A_546 : vector<16xf32>
      %add3A_552 = arith.addf %mul3A_550, %mul3A_551 : vector<16xf32>
      %get3A_553 = arith.constant 176 : index
      %get3A_554 = tpu.vector_load %arg17[%get3A_553] {strides = array<i32>} : memref<256xf32, #tpu.memory_space<vmem>>, vector<16xf32>,
      %mul3A_555 = arith.mulf %add3A_552, %get3A_554 : vector<16xf32>
      %add3A_556 = arith.addf %add3A_538, %mul3A_555 : vector<16xf32>
      %add3A_557 = arith.constant 12 : i32
      %add3A_558 = vector.broadcast %add3A_557 : i32 to vector<16xi32>
      %add3A_559 = arith.addi %mul3A_333, %add3A_558 : vector<16xi32>
      %gather3A_560 = tpu.vector_load_idx %arg14[%add3A_288, %add3A_559] : memref<256x128xf32, #tpu.memory_space<vmem>>[vector<16xi32>, vector<16xi32>], vector<16xf32>,
      %add3A_561 = arith.constant 12 : i32
      %add3A_562 = vector.broadcast %add3A_561 : i32 to vector<16xi32>
      %add3A_563 = arith.addi %mul3A_337, %add3A_562 : vector<16xi32>
      %gather3A_564 = tpu.vector_load_idx %arg15[%add3A_288, %add3A_563] : memref<256x128xf32, #tpu.memory_space<vmem>>[vector<16xi32>, vector<16xi32>], vector<16xf32>,
      %sub3A_565 = arith.subf %gather3A_560, %gather3A_564 : vector<16xf32>
      %mul3A_566 = arith.mulf %sub3A_565, %sub3A_565 : vector<16xf32>
      %add3A_567 = arith.addf %add3A_549, %mul3A_566 : vector<16xf32>
      %mul3A_568 = arith.mulf %gather3A_560, %gather3A_560 : vector<16xf32>
      %mul3A_569 = arith.mulf %gather3A_564, %gather3A_564 : vector<16xf32>
      %add3A_570 = arith.addf %mul3A_568, %mul3A_569 : vector<16xf32>
      %get3A_571 = arith.constant 192 : index
      %get3A_572 = tpu.vector_load %arg17[%get3A_571] {strides = array<i32>} : memref<256xf32, #tpu.memory_space<vmem>>, vector<16xf32>,
      %mul3A_573 = arith.mulf %add3A_570, %get3A_572 : vector<16xf32>
      %add3A_574 = arith.addf %add3A_556, %mul3A_573 : vector<16xf32>
      %add3A_575 = arith.constant 13 : i32
      %add3A_576 = vector.broadcast %add3A_575 : i32 to vector<16xi32>
      %add3A_577 = arith.addi %mul3A_333, %add3A_576 : vector<16xi32>
      %gather3A_578 = tpu.vector_load_idx %arg14[%add3A_288, %add3A_577] : memref<256x128xf32, #tpu.memory_space<vmem>>[vector<16xi32>, vector<16xi32>], vector<16xf32>,
      %add3A_579 = arith.constant 13 : i32
      %add3A_580 = vector.broadcast %add3A_579 : i32 to vector<16xi32>
      %add3A_581 = arith.addi %mul3A_337, %add3A_580 : vector<16xi32>
      %gather3A_582 = tpu.vector_load_idx %arg15[%add3A_288, %add3A_581] : memref<256x128xf32, #tpu.memory_space<vmem>>[vector<16xi32>, vector<16xi32>], vector<16xf32>,
      %sub3A_583 = arith.subf %gather3A_578, %gather3A_582 : vector<16xf32>
      %mul3A_584 = arith.mulf %sub3A_583, %sub3A_583 : vector<16xf32>
      %add3A_585 = arith.addf %add3A_567, %mul3A_584 : vector<16xf32>
      %mul3A_586 = arith.mulf %gather3A_578, %gather3A_578 : vector<16xf32>
      %mul3A_587 = arith.mulf %gather3A_582, %gather3A_582 : vector<16xf32>
      %add3A_588 = arith.addf %mul3A_586, %mul3A_587 : vector<16xf32>
      %get3A_589 = arith.constant 208 : index
      %get3A_590 = tpu.vector_load %arg17[%get3A_589] {strides = array<i32>} : memref<256xf32, #tpu.memory_space<vmem>>, vector<16xf32>,
      %mul3A_591 = arith.mulf %add3A_588, %get3A_590 : vector<16xf32>
      %add3A_592 = arith.addf %add3A_574, %mul3A_591 : vector<16xf32>
      %add3A_593 = arith.constant 14 : i32
      %add3A_594 = vector.broadcast %add3A_593 : i32 to vector<16xi32>
      %add3A_595 = arith.addi %mul3A_333, %add3A_594 : vector<16xi32>
      %gather3A_596 = tpu.vector_load_idx %arg14[%add3A_288, %add3A_595] : memref<256x128xf32, #tpu.memory_space<vmem>>[vector<16xi32>, vector<16xi32>], vector<16xf32>,
      %add3A_597 = arith.constant 14 : i32
      %add3A_598 = vector.broadcast %add3A_597 : i32 to vector<16xi32>
      %add3A_599 = arith.addi %mul3A_337, %add3A_598 : vector<16xi32>
      %gather3A_600 = tpu.vector_load_idx %arg15[%add3A_288, %add3A_599] : memref<256x128xf32, #tpu.memory_space<vmem>>[vector<16xi32>, vector<16xi32>], vector<16xf32>,
      %sub3A_601 = arith.subf %gather3A_596, %gather3A_600 : vector<16xf32>
      %mul3A_602 = arith.mulf %sub3A_601, %sub3A_601 : vector<16xf32>
      %add3A_603 = arith.addf %add3A_585, %mul3A_602 : vector<16xf32>
      %mul3A_604 = arith.mulf %gather3A_596, %gather3A_596 : vector<16xf32>
      %mul3A_605 = arith.mulf %gather3A_600, %gather3A_600 : vector<16xf32>
      %add3A_606 = arith.addf %mul3A_604, %mul3A_605 : vector<16xf32>
      %get3A_607 = arith.constant 224 : index
      %get3A_608 = tpu.vector_load %arg17[%get3A_607] {strides = array<i32>} : memref<256xf32, #tpu.memory_space<vmem>>, vector<16xf32>,
      %mul3A_609 = arith.mulf %add3A_606, %get3A_608 : vector<16xf32>
      %add3A_610 = arith.addf %add3A_592, %mul3A_609 : vector<16xf32>
      %add3A_611 = arith.constant 15 : i32
      %add3A_612 = vector.broadcast %add3A_611 : i32 to vector<16xi32>
      %add3A_613 = arith.addi %mul3A_333, %add3A_612 : vector<16xi32>
      %gather3A_614 = tpu.vector_load_idx %arg14[%add3A_288, %add3A_613] : memref<256x128xf32, #tpu.memory_space<vmem>>[vector<16xi32>, vector<16xi32>], vector<16xf32>,
      %add3A_615 = arith.constant 15 : i32
      %add3A_616 = vector.broadcast %add3A_615 : i32 to vector<16xi32>
      %add3A_617 = arith.addi %mul3A_337, %add3A_616 : vector<16xi32>
      %gather3A_618 = tpu.vector_load_idx %arg15[%add3A_288, %add3A_617] : memref<256x128xf32, #tpu.memory_space<vmem>>[vector<16xi32>, vector<16xi32>], vector<16xf32>,
      %sub3A_619 = arith.subf %gather3A_614, %gather3A_618 : vector<16xf32>
      %mul3A_620 = arith.mulf %sub3A_619, %sub3A_619 : vector<16xf32>
      %add3A_621 = arith.addf %add3A_603, %mul3A_620 : vector<16xf32>
      %mul3A_622 = arith.mulf %gather3A_614, %gather3A_614 : vector<16xf32>
      %mul3A_623 = arith.mulf %gather3A_618, %gather3A_618 : vector<16xf32>
      %add3A_624 = arith.addf %mul3A_622, %mul3A_623 : vector<16xf32>
      %get3A_625 = arith.constant 240 : index
      %get3A_626 = tpu.vector_load %arg17[%get3A_625] {strides = array<i32>} : memref<256xf32, #tpu.memory_space<vmem>>, vector<16xf32>,
      %mul3A_627 = arith.mulf %add3A_624, %get3A_626 : vector<16xf32>
      %add3A_628 = arith.addf %add3A_610, %mul3A_627 : vector<16xf32>
      %mul3A_629 = arith.constant 16 : i32
      %mul3A_630 = arith.muli %scan3A_284, %mul3A_629 : i32
      %add3A_631 = arith.constant 0 : i32
      %add3A_632 = arith.addi %add3A_631, %mul3A_630 : i32
      %multiple_of3A = tpu.assume_multiple %add3A_632, 16 : i32
      %swap3A_633 = arith.index_cast %multiple_of3A : i32 to index
      %swap3A_634 = tpu.vector_load %arg18[%swap3A_633] {strides = array<i32>} : memref<512xf32, #tpu.memory_space<vmem>>, vector<16xf32>,
      tpu.vector_store %arg18[%swap3A_633], %add3A_621 {strides = array<i32>} : memref<512xf32, #tpu.memory_space<vmem>>, vector<16xf32>,
      %swap3A_635 = arith.index_cast %multiple_of3A : i32 to index
      %swap3A_636 = tpu.vector_load %arg19[%swap3A_635] {strides = array<i32>} : memref<512xf32, #tpu.memory_space<vmem>>, vector<16xf32>,
      tpu.vector_store %arg19[%swap3A_635], %add3A_628 {strides = array<i32>} : memref<512xf32, #tpu.memory_space<vmem>>, vector<16xf32>,
    }
    %scan3A_197 = arith.constant 16 : i32
    %dma_start3A_198 = arith.constant 2 : i32
    %dma_start3A_199 = arith.constant 0 : i32
    %dma_start3A_200 = arith.constant 0 : i32
    %dma_start3A_201 = tpu.memref_slice %arg14[%dma_start3A_199, %dma_start3A_200] : memref<256x128xf32, #tpu.memory_space<vmem>> -> memref<128x128xf32, #tpu.memory_space<vmem>>
    %dma_start3A_202 = arith.constant 0 : i32
    %dma_start3A_203 = tpu.memref_slice %arg11[%dma_start3A_198, %dma_start3A_202] : memref<4x128xi32, #tpu.memory_space<vmem>> -> memref<1x128xi32, #tpu.memory_space<vmem>>
    %dma_start3A_204 = tpu.memref_squeeze %dma_start3A_203 : memref<1x128xi32, #tpu.memory_space<vmem>> -> memref<128xi32, #tpu.memory_space<vmem>>
    %dma_start3A_205 = arith.constant 0 : i32
    %dma_start3A_206 = arith.constant 0 : i32
    %dma_start3A_207 = tpu.memref_slice %arg6[%dma_start3A_205, %dma_start3A_206] : memref<125000x128xf32, #tpu.memory_space<hbm>> -> memref<125000x128xf32, #tpu.memory_space<hbm>>
    tpu.enqueue_indirect_dma source(%dma_start3A_207 : memref<125000x128xf32, #tpu.memory_space<hbm>>) target(%dma_start3A_201 : memref<128x128xf32, #tpu.memory_space<vmem>>) offsets(%dma_start3A_204 : memref<128xi32, #tpu.memory_space<vmem>>) semaphore(%arg20 : memref<!tpu.dma_semaphore, #tpu.memory_space<semaphore_mem>>)
    %dma_start3A_208 = arith.constant 2 : i32
    %dma_start3A_209 = arith.constant 0 : i32
    %dma_start3A_210 = arith.constant 0 : i32
    %dma_start3A_211 = tpu.memref_slice %arg15[%dma_start3A_209, %dma_start3A_210] : memref<256x128xf32, #tpu.memory_space<vmem>> -> memref<128x128xf32, #tpu.memory_space<vmem>>
    %dma_start3A_212 = arith.constant 0 : i32
    %dma_start3A_213 = tpu.memref_slice %arg13[%dma_start3A_208, %dma_start3A_212] : memref<4x128xi32, #tpu.memory_space<vmem>> -> memref<1x128xi32, #tpu.memory_space<vmem>>
    %dma_start3A_214 = tpu.memref_squeeze %dma_start3A_213 : memref<1x128xi32, #tpu.memory_space<vmem>> -> memref<128xi32, #tpu.memory_space<vmem>>
    %dma_start3A_215 = arith.constant 0 : i32
    %dma_start3A_216 = arith.constant 0 : i32
    %dma_start3A_217 = tpu.memref_slice %arg6[%dma_start3A_215, %dma_start3A_216] : memref<125000x128xf32, #tpu.memory_space<hbm>> -> memref<125000x128xf32, #tpu.memory_space<hbm>>
    tpu.enqueue_indirect_dma source(%dma_start3A_217 : memref<125000x128xf32, #tpu.memory_space<hbm>>) target(%dma_start3A_211 : memref<128x128xf32, #tpu.memory_space<vmem>>) offsets(%dma_start3A_214 : memref<128xi32, #tpu.memory_space<vmem>>) semaphore(%arg20 : memref<!tpu.dma_semaphore, #tpu.memory_space<semaphore_mem>>)
    %dma_start3A_218 = arith.constant 3 : i32
    %dma_start3A_219 = arith.constant 128 : i32
    %dma_start3A_220 = arith.constant 0 : i32
    %dma_start3A_221 = tpu.memref_slice %arg14[%dma_start3A_219, %dma_start3A_220] : memref<256x128xf32, #tpu.memory_space<vmem>> -> memref<128x128xf32, #tpu.memory_space<vmem>>
    %dma_start3A_222 = arith.constant 0 : i32
    %dma_start3A_223 = tpu.memref_slice %arg11[%dma_start3A_218, %dma_start3A_222] : memref<4x128xi32, #tpu.memory_space<vmem>> -> memref<1x128xi32, #tpu.memory_space<vmem>>
    %dma_start3A_224 = tpu.memref_squeeze %dma_start3A_223 : memref<1x128xi32, #tpu.memory_space<vmem>> -> memref<128xi32, #tpu.memory_space<vmem>>
    %dma_start3A_225 = arith.constant 0 : i32
    %dma_start3A_226 = arith.constant 0 : i32
    %dma_start3A_227 = tpu.memref_slice %arg6[%dma_start3A_225, %dma_start3A_226] : memref<125000x128xf32, #tpu.memory_space<hbm>> -> memref<125000x128xf32, #tpu.memory_space<hbm>>
    tpu.enqueue_indirect_dma source(%dma_start3A_227 : memref<125000x128xf32, #tpu.memory_space<hbm>>) target(%dma_start3A_221 : memref<128x128xf32, #tpu.memory_space<vmem>>) offsets(%dma_start3A_224 : memref<128xi32, #tpu.memory_space<vmem>>) semaphore(%arg20 : memref<!tpu.dma_semaphore, #tpu.memory_space<semaphore_mem>>)
    %dma_start3A_228 = arith.constant 3 : i32
    %dma_start3A_229 = arith.constant 128 : i32
    %dma_start3A_230 = arith.constant 0 : i32
    %dma_start3A_231 = tpu.memref_slice %arg15[%dma_start3A_229, %dma_start3A_230] : memref<256x128xf32, #tpu.memory_space<vmem>> -> memref<128x128xf32, #tpu.memory_space<vmem>>
    %dma_start3A_232 = arith.constant 0 : i32
    %dma_start3A_233 = tpu.memref_slice %arg13[%dma_start3A_228, %dma_start3A_232] : memref<4x128xi32, #tpu.memory_space<vmem>> -> memref<1x128xi32, #tpu.memory_space<vmem>>
    %dma_start3A_234 = tpu.memref_squeeze %dma_start3A_233 : memref<1x128xi32, #tpu.memory_space<vmem>> -> memref<128xi32, #tpu.memory_space<vmem>>
    %dma_start3A_235 = arith.constant 0 : i32
    %dma_start3A_236 = arith.constant 0 : i32
    %dma_start3A_237 = tpu.memref_slice %arg6[%dma_start3A_235, %dma_start3A_236] : memref<125000x128xf32, #tpu.memory_space<hbm>> -> memref<125000x128xf32, #tpu.memory_space<hbm>>
    tpu.enqueue_indirect_dma source(%dma_start3A_237 : memref<125000x128xf32, #tpu.memory_space<hbm>>) target(%dma_start3A_231 : memref<128x128xf32, #tpu.memory_space<vmem>>) offsets(%dma_start3A_234 : memref<128xi32, #tpu.memory_space<vmem>>) semaphore(%arg20 : memref<!tpu.dma_semaphore, #tpu.memory_space<semaphore_mem>>)
    %dma_wait3A_238 = arith.constant 2 : i32
    %dma_wait3A_239 = arith.constant 0 : i32
    %dma_wait3A_240 = arith.constant 0 : i32
    %dma_wait3A_241 = tpu.memref_slice %arg14[%dma_wait3A_239, %dma_wait3A_240] : memref<256x128xf32, #tpu.memory_space<vmem>> -> memref<128x128xf32, #tpu.memory_space<vmem>>
    %dma_wait3A_242 = arith.constant 0 : i32
    %dma_wait3A_243 = tpu.memref_slice %arg11[%dma_wait3A_238, %dma_wait3A_242] : memref<4x128xi32, #tpu.memory_space<vmem>> -> memref<1x128xi32, #tpu.memory_space<vmem>>
    %dma_wait3A_244 = tpu.memref_squeeze %dma_wait3A_243 : memref<1x128xi32, #tpu.memory_space<vmem>> -> memref<128xi32, #tpu.memory_space<vmem>>
    %dma_wait3A_245 = arith.constant 0 : i32
    %dma_wait3A_246 = arith.constant 0 : i32
    %dma_wait3A_247 = tpu.memref_slice %arg6[%dma_wait3A_245, %dma_wait3A_246] : memref<125000x128xf32, #tpu.memory_space<hbm>> -> memref<125000x128xf32, #tpu.memory_space<hbm>>
    tpu.wait_indirect_dma semaphore(%arg20 : memref<!tpu.dma_semaphore, #tpu.memory_space<semaphore_mem>>) src(%dma_wait3A_247 : memref<125000x128xf32, #tpu.memory_space<hbm>>) dst(%dma_wait3A_241 : memref<128x128xf32, #tpu.memory_space<vmem>>)
    %dma_wait3A_248 = arith.constant 2 : i32
    %dma_wait3A_249 = arith.constant 0 : i32
    %dma_wait3A_250 = arith.constant 0 : i32
    %dma_wait3A_251 = tpu.memref_slice %arg15[%dma_wait3A_249, %dma_wait3A_250] : memref<256x128xf32, #tpu.memory_space<vmem>> -> memref<128x128xf32, #tpu.memory_space<vmem>>
    %dma_wait3A_252 = arith.constant 0 : i32
    %dma_wait3A_253 = tpu.memref_slice %arg13[%dma_wait3A_248, %dma_wait3A_252] : memref<4x128xi32, #tpu.memory_space<vmem>> -> memref<1x128xi32, #tpu.memory_space<vmem>>
    %dma_wait3A_254 = tpu.memref_squeeze %dma_wait3A_253 : memref<1x128xi32, #tpu.memory_space<vmem>> -> memref<128xi32, #tpu.memory_space<vmem>>
    %dma_wait3A_255 = arith.constant 0 : i32
    %dma_wait3A_256 = arith.constant 0 : i32
    %dma_wait3A_257 = tpu.memref_slice %arg6[%dma_wait3A_255, %dma_wait3A_256] : memref<125000x128xf32, #tpu.memory_space<hbm>> -> memref<125000x128xf32, #tpu.memory_space<hbm>>
    tpu.wait_indirect_dma semaphore(%arg20 : memref<!tpu.dma_semaphore, #tpu.memory_space<semaphore_mem>>) src(%dma_wait3A_257 : memref<125000x128xf32, #tpu.memory_space<hbm>>) dst(%dma_wait3A_251 : memref<128x128xf32, #tpu.memory_space<vmem>>)
    %dma_wait3A_258 = arith.constant 3 : i32
    %dma_wait3A_259 = arith.constant 128 : i32
    %dma_wait3A_260 = arith.constant 0 : i32
    %dma_wait3A_261 = tpu.memref_slice %arg14[%dma_wait3A_259, %dma_wait3A_260] : memref<256x128xf32, #tpu.memory_space<vmem>> -> memref<128x128xf32, #tpu.memory_space<vmem>>
    %dma_wait3A_262 = arith.constant 0 : i32
    %dma_wait3A_263 = tpu.memref_slice %arg11[%dma_wait3A_258, %dma_wait3A_262] : memref<4x128xi32, #tpu.memory_space<vmem>> -> memref<1x128xi32, #tpu.memory_space<vmem>>
    %dma_wait3A_264 = tpu.memref_squeeze %dma_wait3A_263 : memref<1x128xi32, #tpu.memory_space<vmem>> -> memref<128xi32, #tpu.memory_space<vmem>>
    %dma_wait3A_265 = arith.constant 0 : i32
    %dma_wait3A_266 = arith.constant 0 : i32
    %dma_wait3A_267 = tpu.memref_slice %arg6[%dma_wait3A_265, %dma_wait3A_266] : memref<125000x128xf32, #tpu.memory_space<hbm>> -> memref<125000x128xf32, #tpu.memory_space<hbm>>
    tpu.wait_indirect_dma semaphore(%arg20 : memref<!tpu.dma_semaphore, #tpu.memory_space<semaphore_mem>>) src(%dma_wait3A_267 : memref<125000x128xf32, #tpu.memory_space<hbm>>) dst(%dma_wait3A_261 : memref<128x128xf32, #tpu.memory_space<vmem>>)
    %dma_wait3A_268 = arith.constant 3 : i32
    %dma_wait3A_269 = arith.constant 128 : i32
    %dma_wait3A_270 = arith.constant 0 : i32
    %dma_wait3A_271 = tpu.memref_slice %arg15[%dma_wait3A_269, %dma_wait3A_270] : memref<256x128xf32, #tpu.memory_space<vmem>> -> memref<128x128xf32, #tpu.memory_space<vmem>>
    %dma_wait3A_272 = arith.constant 0 : i32
    %dma_wait3A_273 = tpu.memref_slice %arg13[%dma_wait3A_268, %dma_wait3A_272] : memref<4x128xi32, #tpu.memory_space<vmem>> -> memref<1x128xi32, #tpu.memory_space<vmem>>
    %dma_wait3A_274 = tpu.memref_squeeze %dma_wait3A_273 : memref<1x128xi32, #tpu.memory_space<vmem>> -> memref<128xi32, #tpu.memory_space<vmem>>
    %dma_wait3A_275 = arith.constant 0 : i32
    %dma_wait3A_276 = arith.constant 0 : i32
    %dma_wait3A_277 = tpu.memref_slice %arg6[%dma_wait3A_275, %dma_wait3A_276] : memref<125000x128xf32, #tpu.memory_space<hbm>> -> memref<125000x128xf32, #tpu.memory_space<hbm>>
    tpu.wait_indirect_dma semaphore(%arg20 : memref<!tpu.dma_semaphore, #tpu.memory_space<semaphore_mem>>) src(%dma_wait3A_277 : memref<125000x128xf32, #tpu.memory_space<hbm>>) dst(%dma_wait3A_271 : memref<128x128xf32, #tpu.memory_space<vmem>>)
    %scan3A_278 = arith.constant 0 : i32
    %scan3A_279 = arith.constant 0 : i32
    %scan3A_280 = arith.constant 16 : i32
    %scan3A_281 = arith.addi %scan3A_279, %scan3A_280 : i32
    %scan3A_282 = arith.constant 1 : i32
    scf.for %scan3A_284 = %scan3A_279 to %scan3A_281 step %scan3A_282  : i32 {
      %mul3A_285 = arith.constant 16 : i32
      %mul3A_286 = arith.muli %scan3A_284, %mul3A_285 : i32
      %add3A_287 = vector.broadcast %mul3A_286 : i32 to vector<16xi32>
      %add3A_288 = arith.addi %add3A_287, %iota3A : vector<16xi32>
      %jit3A = arith.constant 8 : i32
      %div3A_289 = arith.divsi %scan3A_284, %jit3A : i32
      %sign3A = arith.constant 0 : i32
      %sign3A_290 = arith.cmpi sgt, %scan3A_284, %sign3A : i32
      %sign3A_291 = arith.extui %sign3A_290 : i1 to i32
      %sign3A_292 = arith.constant 0 : i32
      %sign3A_293 = arith.cmpi slt, %scan3A_284, %sign3A_292 : i32
      %sign3A_294 = arith.extui %sign3A_293 : i1 to i32
      %sign3A_295 = arith.subi %sign3A_291, %sign3A_294 : i32
      %sign3A_296 = arith.constant 0 : i32
      %sign3A_297 = arith.cmpi sgt, %jit3A, %sign3A_296 : i32
      %sign3A_298 = arith.extui %sign3A_297 : i1 to i32
      %sign3A_299 = arith.constant 0 : i32
      %sign3A_300 = arith.cmpi slt, %jit3A, %sign3A_299 : i32
      %sign3A_301 = arith.extui %sign3A_300 : i1 to i32
      %sign3A_302 = arith.subi %sign3A_298, %sign3A_301 : i32
      %ne3A = arith.cmpi ne, %sign3A_295, %sign3A_302 : i32
      %rem3A = arith.remsi %scan3A_284, %jit3A : i32
      %ne3A_303 = arith.constant 0 : i32
      %ne3A_304 = arith.cmpi ne, %rem3A, %ne3A_303 : i32
      %and3A = arith.andi %ne3A, %ne3A_304 : i1
      %sub3A = arith.constant 1 : i32
      %sub3A_305 = arith.subi %div3A_289, %sub3A : i32
      %select_n3A = arith.select %and3A, %sub3A_305, %div3A_289 : i32
      %add3A_306 = arith.constant 2 : i32
      %add3A_307 = arith.addi %add3A_306, %select_n3A : i32
      %jit3A_308 = arith.constant 8 : i32
      %eq3A = arith.constant 0 : i32
      %eq3A_309 = arith.cmpi eq, %jit3A_308, %eq3A : i32
      %jit3A_310 = arith.constant 1 : i32
      %select_n3A_311 = arith.select %eq3A_309, %jit3A_310, %jit3A_308 : i32
      %rem3A_312 = arith.remsi %scan3A_284, %select_n3A_311 : i32
      %ne3A_313 = arith.constant 0 : i32
      %ne3A_314 = arith.cmpi ne, %rem3A_312, %ne3A_313 : i32
      %lt3A = arith.constant 0 : i32
      %lt3A_315 = arith.cmpi slt, %rem3A_312, %lt3A : i32
      %lt3A_316 = arith.constant 0 : i32
      %lt3A_317 = arith.cmpi slt, %select_n3A_311, %lt3A_316 : i32
      %ne3A_318 = arith.xori %lt3A_315, %lt3A_317 : i1
      %and3A_319 = arith.andi %ne3A_318, %ne3A_314 : i1
      %add3A_320 = arith.addi %rem3A_312, %select_n3A_311 : i32
      %select_n3A_321 = arith.select %and3A_319, %add3A_320, %rem3A_312 : i32
      %mul3A_322 = arith.constant 16 : i32
      %mul3A_323 = arith.muli %select_n3A_321, %mul3A_322 : i32
      %get3A_324 = arith.index_cast %add3A_307 : i32 to index
      %get3A_325 = arith.index_cast %mul3A_323 : i32 to index
      %get3A_326 = tpu.vector_load %arg10[%get3A_324, %get3A_325] {strides = array<i32>} : memref<4x128xi32, #tpu.memory_space<vmem>>, vector<16xi32>,
      %get3A_327 = arith.index_cast %add3A_307 : i32 to index
      %get3A_328 = arith.index_cast %mul3A_323 : i32 to index
      %get3A_329 = tpu.vector_load %arg12[%get3A_327, %get3A_328] {strides = array<i32>} : memref<4x128xi32, #tpu.memory_space<vmem>>, vector<16xi32>,
      %and3A_330 = arith.andi %get3A_326, %broadcast_in_dim3A_114 : vector<16xi32>
      %mul3A_331 = arith.constant 16 : i32
      %mul3A_332 = vector.broadcast %mul3A_331 : i32 to vector<16xi32>
      %mul3A_333 = arith.muli %and3A_330, %mul3A_332 : vector<16xi32>
      %and3A_334 = arith.andi %get3A_329, %broadcast_in_dim3A_114 : vector<16xi32>
      %mul3A_335 = arith.constant 16 : i32
      %mul3A_336 = vector.broadcast %mul3A_335 : i32 to vector<16xi32>
      %mul3A_337 = arith.muli %and3A_334, %mul3A_336 : vector<16xi32>
      %broadcast_in_dim3A_338 = arith.constant 0.000000e+00 : f32
      %broadcast_in_dim3A_339 = vector.broadcast %broadcast_in_dim3A_338 : f32 to vector<16xf32>
      %broadcast_in_dim3A_340 = arith.constant 0.000000e+00 : f32
      %broadcast_in_dim3A_341 = vector.broadcast %broadcast_in_dim3A_340 : f32 to vector<16xf32>
      %add3A_342 = arith.constant 0 : i32
      %add3A_343 = vector.broadcast %add3A_342 : i32 to vector<16xi32>
      %add3A_344 = arith.addi %mul3A_333, %add3A_343 : vector<16xi32>
      %gather3A = tpu.vector_load_idx %arg14[%add3A_288, %add3A_344] : memref<256x128xf32, #tpu.memory_space<vmem>>[vector<16xi32>, vector<16xi32>], vector<16xf32>,
      %add3A_345 = arith.constant 0 : i32
      %add3A_346 = vector.broadcast %add3A_345 : i32 to vector<16xi32>
      %add3A_347 = arith.addi %mul3A_337, %add3A_346 : vector<16xi32>
      %gather3A_348 = tpu.vector_load_idx %arg15[%add3A_288, %add3A_347] : memref<256x128xf32, #tpu.memory_space<vmem>>[vector<16xi32>, vector<16xi32>], vector<16xf32>,
      %sub3A_349 = arith.subf %gather3A, %gather3A_348 : vector<16xf32>
      %mul3A_350 = arith.mulf %sub3A_349, %sub3A_349 : vector<16xf32>
      %add3A_351 = arith.addf %broadcast_in_dim3A_339, %mul3A_350 : vector<16xf32>
      %mul3A_352 = arith.mulf %gather3A, %gather3A : vector<16xf32>
      %mul3A_353 = arith.mulf %gather3A_348, %gather3A_348 : vector<16xf32>
      %add3A_354 = arith.addf %mul3A_352, %mul3A_353 : vector<16xf32>
      %get3A_355 = arith.constant 0 : index
      %get3A_356 = tpu.vector_load %arg17[%get3A_355] {strides = array<i32>} : memref<256xf32, #tpu.memory_space<vmem>>, vector<16xf32>,
      %mul3A_357 = arith.mulf %add3A_354, %get3A_356 : vector<16xf32>
      %add3A_358 = arith.addf %broadcast_in_dim3A_341, %mul3A_357 : vector<16xf32>
      %add3A_359 = arith.constant 1 : i32
      %add3A_360 = vector.broadcast %add3A_359 : i32 to vector<16xi32>
      %add3A_361 = arith.addi %mul3A_333, %add3A_360 : vector<16xi32>
      %gather3A_362 = tpu.vector_load_idx %arg14[%add3A_288, %add3A_361] : memref<256x128xf32, #tpu.memory_space<vmem>>[vector<16xi32>, vector<16xi32>], vector<16xf32>,
      %add3A_363 = arith.constant 1 : i32
      %add3A_364 = vector.broadcast %add3A_363 : i32 to vector<16xi32>
      %add3A_365 = arith.addi %mul3A_337, %add3A_364 : vector<16xi32>
      %gather3A_366 = tpu.vector_load_idx %arg15[%add3A_288, %add3A_365] : memref<256x128xf32, #tpu.memory_space<vmem>>[vector<16xi32>, vector<16xi32>], vector<16xf32>,
      %sub3A_367 = arith.subf %gather3A_362, %gather3A_366 : vector<16xf32>
      %mul3A_368 = arith.mulf %sub3A_367, %sub3A_367 : vector<16xf32>
      %add3A_369 = arith.addf %add3A_351, %mul3A_368 : vector<16xf32>
      %mul3A_370 = arith.mulf %gather3A_362, %gather3A_362 : vector<16xf32>
      %mul3A_371 = arith.mulf %gather3A_366, %gather3A_366 : vector<16xf32>
      %add3A_372 = arith.addf %mul3A_370, %mul3A_371 : vector<16xf32>
      %get3A_373 = arith.constant 16 : index
      %get3A_374 = tpu.vector_load %arg17[%get3A_373] {strides = array<i32>} : memref<256xf32, #tpu.memory_space<vmem>>, vector<16xf32>,
      %mul3A_375 = arith.mulf %add3A_372, %get3A_374 : vector<16xf32>
      %add3A_376 = arith.addf %add3A_358, %mul3A_375 : vector<16xf32>
      %add3A_377 = arith.constant 2 : i32
      %add3A_378 = vector.broadcast %add3A_377 : i32 to vector<16xi32>
      %add3A_379 = arith.addi %mul3A_333, %add3A_378 : vector<16xi32>
      %gather3A_380 = tpu.vector_load_idx %arg14[%add3A_288, %add3A_379] : memref<256x128xf32, #tpu.memory_space<vmem>>[vector<16xi32>, vector<16xi32>], vector<16xf32>,
      %add3A_381 = arith.constant 2 : i32
      %add3A_382 = vector.broadcast %add3A_381 : i32 to vector<16xi32>
      %add3A_383 = arith.addi %mul3A_337, %add3A_382 : vector<16xi32>
      %gather3A_384 = tpu.vector_load_idx %arg15[%add3A_288, %add3A_383] : memref<256x128xf32, #tpu.memory_space<vmem>>[vector<16xi32>, vector<16xi32>], vector<16xf32>,
      %sub3A_385 = arith.subf %gather3A_380, %gather3A_384 : vector<16xf32>
      %mul3A_386 = arith.mulf %sub3A_385, %sub3A_385 : vector<16xf32>
      %add3A_387 = arith.addf %add3A_369, %mul3A_386 : vector<16xf32>
      %mul3A_388 = arith.mulf %gather3A_380, %gather3A_380 : vector<16xf32>
      %mul3A_389 = arith.mulf %gather3A_384, %gather3A_384 : vector<16xf32>
      %add3A_390 = arith.addf %mul3A_388, %mul3A_389 : vector<16xf32>
      %get3A_391 = arith.constant 32 : index
      %get3A_392 = tpu.vector_load %arg17[%get3A_391] {strides = array<i32>} : memref<256xf32, #tpu.memory_space<vmem>>, vector<16xf32>,
      %mul3A_393 = arith.mulf %add3A_390, %get3A_392 : vector<16xf32>
      %add3A_394 = arith.addf %add3A_376, %mul3A_393 : vector<16xf32>
      %add3A_395 = arith.constant 3 : i32
      %add3A_396 = vector.broadcast %add3A_395 : i32 to vector<16xi32>
      %add3A_397 = arith.addi %mul3A_333, %add3A_396 : vector<16xi32>
      %gather3A_398 = tpu.vector_load_idx %arg14[%add3A_288, %add3A_397] : memref<256x128xf32, #tpu.memory_space<vmem>>[vector<16xi32>, vector<16xi32>], vector<16xf32>,
      %add3A_399 = arith.constant 3 : i32
      %add3A_400 = vector.broadcast %add3A_399 : i32 to vector<16xi32>
      %add3A_401 = arith.addi %mul3A_337, %add3A_400 : vector<16xi32>
      %gather3A_402 = tpu.vector_load_idx %arg15[%add3A_288, %add3A_401] : memref<256x128xf32, #tpu.memory_space<vmem>>[vector<16xi32>, vector<16xi32>], vector<16xf32>,
      %sub3A_403 = arith.subf %gather3A_398, %gather3A_402 : vector<16xf32>
      %mul3A_404 = arith.mulf %sub3A_403, %sub3A_403 : vector<16xf32>
      %add3A_405 = arith.addf %add3A_387, %mul3A_404 : vector<16xf32>
      %mul3A_406 = arith.mulf %gather3A_398, %gather3A_398 : vector<16xf32>
      %mul3A_407 = arith.mulf %gather3A_402, %gather3A_402 : vector<16xf32>
      %add3A_408 = arith.addf %mul3A_406, %mul3A_407 : vector<16xf32>
      %get3A_409 = arith.constant 48 : index
      %get3A_410 = tpu.vector_load %arg17[%get3A_409] {strides = array<i32>} : memref<256xf32, #tpu.memory_space<vmem>>, vector<16xf32>,
      %mul3A_411 = arith.mulf %add3A_408, %get3A_410 : vector<16xf32>
      %add3A_412 = arith.addf %add3A_394, %mul3A_411 : vector<16xf32>
      %add3A_413 = arith.constant 4 : i32
      %add3A_414 = vector.broadcast %add3A_413 : i32 to vector<16xi32>
      %add3A_415 = arith.addi %mul3A_333, %add3A_414 : vector<16xi32>
      %gather3A_416 = tpu.vector_load_idx %arg14[%add3A_288, %add3A_415] : memref<256x128xf32, #tpu.memory_space<vmem>>[vector<16xi32>, vector<16xi32>], vector<16xf32>,
      %add3A_417 = arith.constant 4 : i32
      %add3A_418 = vector.broadcast %add3A_417 : i32 to vector<16xi32>
      %add3A_419 = arith.addi %mul3A_337, %add3A_418 : vector<16xi32>
      %gather3A_420 = tpu.vector_load_idx %arg15[%add3A_288, %add3A_419] : memref<256x128xf32, #tpu.memory_space<vmem>>[vector<16xi32>, vector<16xi32>], vector<16xf32>,
      %sub3A_421 = arith.subf %gather3A_416, %gather3A_420 : vector<16xf32>
      %mul3A_422 = arith.mulf %sub3A_421, %sub3A_421 : vector<16xf32>
      %add3A_423 = arith.addf %add3A_405, %mul3A_422 : vector<16xf32>
      %mul3A_424 = arith.mulf %gather3A_416, %gather3A_416 : vector<16xf32>
      %mul3A_425 = arith.mulf %gather3A_420, %gather3A_420 : vector<16xf32>
      %add3A_426 = arith.addf %mul3A_424, %mul3A_425 : vector<16xf32>
      %get3A_427 = arith.constant 64 : index
      %get3A_428 = tpu.vector_load %arg17[%get3A_427] {strides = array<i32>} : memref<256xf32, #tpu.memory_space<vmem>>, vector<16xf32>,
      %mul3A_429 = arith.mulf %add3A_426, %get3A_428 : vector<16xf32>
      %add3A_430 = arith.addf %add3A_412, %mul3A_429 : vector<16xf32>
      %add3A_431 = arith.constant 5 : i32
      %add3A_432 = vector.broadcast %add3A_431 : i32 to vector<16xi32>
      %add3A_433 = arith.addi %mul3A_333, %add3A_432 : vector<16xi32>
      %gather3A_434 = tpu.vector_load_idx %arg14[%add3A_288, %add3A_433] : memref<256x128xf32, #tpu.memory_space<vmem>>[vector<16xi32>, vector<16xi32>], vector<16xf32>,
      %add3A_435 = arith.constant 5 : i32
      %add3A_436 = vector.broadcast %add3A_435 : i32 to vector<16xi32>
      %add3A_437 = arith.addi %mul3A_337, %add3A_436 : vector<16xi32>
      %gather3A_438 = tpu.vector_load_idx %arg15[%add3A_288, %add3A_437] : memref<256x128xf32, #tpu.memory_space<vmem>>[vector<16xi32>, vector<16xi32>], vector<16xf32>,
      %sub3A_439 = arith.subf %gather3A_434, %gather3A_438 : vector<16xf32>
      %mul3A_440 = arith.mulf %sub3A_439, %sub3A_439 : vector<16xf32>
      %add3A_441 = arith.addf %add3A_423, %mul3A_440 : vector<16xf32>
      %mul3A_442 = arith.mulf %gather3A_434, %gather3A_434 : vector<16xf32>
      %mul3A_443 = arith.mulf %gather3A_438, %gather3A_438 : vector<16xf32>
      %add3A_444 = arith.addf %mul3A_442, %mul3A_443 : vector<16xf32>
      %get3A_445 = arith.constant 80 : index
      %get3A_446 = tpu.vector_load %arg17[%get3A_445] {strides = array<i32>} : memref<256xf32, #tpu.memory_space<vmem>>, vector<16xf32>,
      %mul3A_447 = arith.mulf %add3A_444, %get3A_446 : vector<16xf32>
      %add3A_448 = arith.addf %add3A_430, %mul3A_447 : vector<16xf32>
      %add3A_449 = arith.constant 6 : i32
      %add3A_450 = vector.broadcast %add3A_449 : i32 to vector<16xi32>
      %add3A_451 = arith.addi %mul3A_333, %add3A_450 : vector<16xi32>
      %gather3A_452 = tpu.vector_load_idx %arg14[%add3A_288, %add3A_451] : memref<256x128xf32, #tpu.memory_space<vmem>>[vector<16xi32>, vector<16xi32>], vector<16xf32>,
      %add3A_453 = arith.constant 6 : i32
      %add3A_454 = vector.broadcast %add3A_453 : i32 to vector<16xi32>
      %add3A_455 = arith.addi %mul3A_337, %add3A_454 : vector<16xi32>
      %gather3A_456 = tpu.vector_load_idx %arg15[%add3A_288, %add3A_455] : memref<256x128xf32, #tpu.memory_space<vmem>>[vector<16xi32>, vector<16xi32>], vector<16xf32>,
      %sub3A_457 = arith.subf %gather3A_452, %gather3A_456 : vector<16xf32>
      %mul3A_458 = arith.mulf %sub3A_457, %sub3A_457 : vector<16xf32>
      %add3A_459 = arith.addf %add3A_441, %mul3A_458 : vector<16xf32>
      %mul3A_460 = arith.mulf %gather3A_452, %gather3A_452 : vector<16xf32>
      %mul3A_461 = arith.mulf %gather3A_456, %gather3A_456 : vector<16xf32>
      %add3A_462 = arith.addf %mul3A_460, %mul3A_461 : vector<16xf32>
      %get3A_463 = arith.constant 96 : index
      %get3A_464 = tpu.vector_load %arg17[%get3A_463] {strides = array<i32>} : memref<256xf32, #tpu.memory_space<vmem>>, vector<16xf32>,
      %mul3A_465 = arith.mulf %add3A_462, %get3A_464 : vector<16xf32>
      %add3A_466 = arith.addf %add3A_448, %mul3A_465 : vector<16xf32>
      %add3A_467 = arith.constant 7 : i32
      %add3A_468 = vector.broadcast %add3A_467 : i32 to vector<16xi32>
      %add3A_469 = arith.addi %mul3A_333, %add3A_468 : vector<16xi32>
      %gather3A_470 = tpu.vector_load_idx %arg14[%add3A_288, %add3A_469] : memref<256x128xf32, #tpu.memory_space<vmem>>[vector<16xi32>, vector<16xi32>], vector<16xf32>,
      %add3A_471 = arith.constant 7 : i32
      %add3A_472 = vector.broadcast %add3A_471 : i32 to vector<16xi32>
      %add3A_473 = arith.addi %mul3A_337, %add3A_472 : vector<16xi32>
      %gather3A_474 = tpu.vector_load_idx %arg15[%add3A_288, %add3A_473] : memref<256x128xf32, #tpu.memory_space<vmem>>[vector<16xi32>, vector<16xi32>], vector<16xf32>,
      %sub3A_475 = arith.subf %gather3A_470, %gather3A_474 : vector<16xf32>
      %mul3A_476 = arith.mulf %sub3A_475, %sub3A_475 : vector<16xf32>
      %add3A_477 = arith.addf %add3A_459, %mul3A_476 : vector<16xf32>
      %mul3A_478 = arith.mulf %gather3A_470, %gather3A_470 : vector<16xf32>
      %mul3A_479 = arith.mulf %gather3A_474, %gather3A_474 : vector<16xf32>
      %add3A_480 = arith.addf %mul3A_478, %mul3A_479 : vector<16xf32>
      %get3A_481 = arith.constant 112 : index
      %get3A_482 = tpu.vector_load %arg17[%get3A_481] {strides = array<i32>} : memref<256xf32, #tpu.memory_space<vmem>>, vector<16xf32>,
      %mul3A_483 = arith.mulf %add3A_480, %get3A_482 : vector<16xf32>
      %add3A_484 = arith.addf %add3A_466, %mul3A_483 : vector<16xf32>
      %add3A_485 = arith.constant 8 : i32
      %add3A_486 = vector.broadcast %add3A_485 : i32 to vector<16xi32>
      %add3A_487 = arith.addi %mul3A_333, %add3A_486 : vector<16xi32>
      %gather3A_488 = tpu.vector_load_idx %arg14[%add3A_288, %add3A_487] : memref<256x128xf32, #tpu.memory_space<vmem>>[vector<16xi32>, vector<16xi32>], vector<16xf32>,
      %add3A_489 = arith.constant 8 : i32
      %add3A_490 = vector.broadcast %add3A_489 : i32 to vector<16xi32>
      %add3A_491 = arith.addi %mul3A_337, %add3A_490 : vector<16xi32>
      %gather3A_492 = tpu.vector_load_idx %arg15[%add3A_288, %add3A_491] : memref<256x128xf32, #tpu.memory_space<vmem>>[vector<16xi32>, vector<16xi32>], vector<16xf32>,
      %sub3A_493 = arith.subf %gather3A_488, %gather3A_492 : vector<16xf32>
      %mul3A_494 = arith.mulf %sub3A_493, %sub3A_493 : vector<16xf32>
      %add3A_495 = arith.addf %add3A_477, %mul3A_494 : vector<16xf32>
      %mul3A_496 = arith.mulf %gather3A_488, %gather3A_488 : vector<16xf32>
      %mul3A_497 = arith.mulf %gather3A_492, %gather3A_492 : vector<16xf32>
      %add3A_498 = arith.addf %mul3A_496, %mul3A_497 : vector<16xf32>
      %get3A_499 = arith.constant 128 : index
      %get3A_500 = tpu.vector_load %arg17[%get3A_499] {strides = array<i32>} : memref<256xf32, #tpu.memory_space<vmem>>, vector<16xf32>,
      %mul3A_501 = arith.mulf %add3A_498, %get3A_500 : vector<16xf32>
      %add3A_502 = arith.addf %add3A_484, %mul3A_501 : vector<16xf32>
      %add3A_503 = arith.constant 9 : i32
      %add3A_504 = vector.broadcast %add3A_503 : i32 to vector<16xi32>
      %add3A_505 = arith.addi %mul3A_333, %add3A_504 : vector<16xi32>
      %gather3A_506 = tpu.vector_load_idx %arg14[%add3A_288, %add3A_505] : memref<256x128xf32, #tpu.memory_space<vmem>>[vector<16xi32>, vector<16xi32>], vector<16xf32>,
      %add3A_507 = arith.constant 9 : i32
      %add3A_508 = vector.broadcast %add3A_507 : i32 to vector<16xi32>
      %add3A_509 = arith.addi %mul3A_337, %add3A_508 : vector<16xi32>
      %gather3A_510 = tpu.vector_load_idx %arg15[%add3A_288, %add3A_509] : memref<256x128xf32, #tpu.memory_space<vmem>>[vector<16xi32>, vector<16xi32>], vector<16xf32>,
      %sub3A_511 = arith.subf %gather3A_506, %gather3A_510 : vector<16xf32>
      %mul3A_512 = arith.mulf %sub3A_511, %sub3A_511 : vector<16xf32>
      %add3A_513 = arith.addf %add3A_495, %mul3A_512 : vector<16xf32>
      %mul3A_514 = arith.mulf %gather3A_506, %gather3A_506 : vector<16xf32>
      %mul3A_515 = arith.mulf %gather3A_510, %gather3A_510 : vector<16xf32>
      %add3A_516 = arith.addf %mul3A_514, %mul3A_515 : vector<16xf32>
      %get3A_517 = arith.constant 144 : index
      %get3A_518 = tpu.vector_load %arg17[%get3A_517] {strides = array<i32>} : memref<256xf32, #tpu.memory_space<vmem>>, vector<16xf32>,
      %mul3A_519 = arith.mulf %add3A_516, %get3A_518 : vector<16xf32>
      %add3A_520 = arith.addf %add3A_502, %mul3A_519 : vector<16xf32>
      %add3A_521 = arith.constant 10 : i32
      %add3A_522 = vector.broadcast %add3A_521 : i32 to vector<16xi32>
      %add3A_523 = arith.addi %mul3A_333, %add3A_522 : vector<16xi32>
      %gather3A_524 = tpu.vector_load_idx %arg14[%add3A_288, %add3A_523] : memref<256x128xf32, #tpu.memory_space<vmem>>[vector<16xi32>, vector<16xi32>], vector<16xf32>,
      %add3A_525 = arith.constant 10 : i32
      %add3A_526 = vector.broadcast %add3A_525 : i32 to vector<16xi32>
      %add3A_527 = arith.addi %mul3A_337, %add3A_526 : vector<16xi32>
      %gather3A_528 = tpu.vector_load_idx %arg15[%add3A_288, %add3A_527] : memref<256x128xf32, #tpu.memory_space<vmem>>[vector<16xi32>, vector<16xi32>], vector<16xf32>,
      %sub3A_529 = arith.subf %gather3A_524, %gather3A_528 : vector<16xf32>
      %mul3A_530 = arith.mulf %sub3A_529, %sub3A_529 : vector<16xf32>
      %add3A_531 = arith.addf %add3A_513, %mul3A_530 : vector<16xf32>
      %mul3A_532 = arith.mulf %gather3A_524, %gather3A_524 : vector<16xf32>
      %mul3A_533 = arith.mulf %gather3A_528, %gather3A_528 : vector<16xf32>
      %add3A_534 = arith.addf %mul3A_532, %mul3A_533 : vector<16xf32>
      %get3A_535 = arith.constant 160 : index
      %get3A_536 = tpu.vector_load %arg17[%get3A_535] {strides = array<i32>} : memref<256xf32, #tpu.memory_space<vmem>>, vector<16xf32>,
      %mul3A_537 = arith.mulf %add3A_534, %get3A_536 : vector<16xf32>
      %add3A_538 = arith.addf %add3A_520, %mul3A_537 : vector<16xf32>
      %add3A_539 = arith.constant 11 : i32
      %add3A_540 = vector.broadcast %add3A_539 : i32 to vector<16xi32>
      %add3A_541 = arith.addi %mul3A_333, %add3A_540 : vector<16xi32>
      %gather3A_542 = tpu.vector_load_idx %arg14[%add3A_288, %add3A_541] : memref<256x128xf32, #tpu.memory_space<vmem>>[vector<16xi32>, vector<16xi32>], vector<16xf32>,
      %add3A_543 = arith.constant 11 : i32
      %add3A_544 = vector.broadcast %add3A_543 : i32 to vector<16xi32>
      %add3A_545 = arith.addi %mul3A_337, %add3A_544 : vector<16xi32>
      %gather3A_546 = tpu.vector_load_idx %arg15[%add3A_288, %add3A_545] : memref<256x128xf32, #tpu.memory_space<vmem>>[vector<16xi32>, vector<16xi32>], vector<16xf32>,
      %sub3A_547 = arith.subf %gather3A_542, %gather3A_546 : vector<16xf32>
      %mul3A_548 = arith.mulf %sub3A_547, %sub3A_547 : vector<16xf32>
      %add3A_549 = arith.addf %add3A_531, %mul3A_548 : vector<16xf32>
      %mul3A_550 = arith.mulf %gather3A_542, %gather3A_542 : vector<16xf32>
      %mul3A_551 = arith.mulf %gather3A_546, %gather3A_546 : vector<16xf32>
      %add3A_552 = arith.addf %mul3A_550, %mul3A_551 : vector<16xf32>
      %get3A_553 = arith.constant 176 : index
      %get3A_554 = tpu.vector_load %arg17[%get3A_553] {strides = array<i32>} : memref<256xf32, #tpu.memory_space<vmem>>, vector<16xf32>,
      %mul3A_555 = arith.mulf %add3A_552, %get3A_554 : vector<16xf32>
      %add3A_556 = arith.addf %add3A_538, %mul3A_555 : vector<16xf32>
      %add3A_557 = arith.constant 12 : i32
      %add3A_558 = vector.broadcast %add3A_557 : i32 to vector<16xi32>
      %add3A_559 = arith.addi %mul3A_333, %add3A_558 : vector<16xi32>
      %gather3A_560 = tpu.vector_load_idx %arg14[%add3A_288, %add3A_559] : memref<256x128xf32, #tpu.memory_space<vmem>>[vector<16xi32>, vector<16xi32>], vector<16xf32>,
      %add3A_561 = arith.constant 12 : i32
      %add3A_562 = vector.broadcast %add3A_561 : i32 to vector<16xi32>
      %add3A_563 = arith.addi %mul3A_337, %add3A_562 : vector<16xi32>
      %gather3A_564 = tpu.vector_load_idx %arg15[%add3A_288, %add3A_563] : memref<256x128xf32, #tpu.memory_space<vmem>>[vector<16xi32>, vector<16xi32>], vector<16xf32>,
      %sub3A_565 = arith.subf %gather3A_560, %gather3A_564 : vector<16xf32>
      %mul3A_566 = arith.mulf %sub3A_565, %sub3A_565 : vector<16xf32>
      %add3A_567 = arith.addf %add3A_549, %mul3A_566 : vector<16xf32>
      %mul3A_568 = arith.mulf %gather3A_560, %gather3A_560 : vector<16xf32>
      %mul3A_569 = arith.mulf %gather3A_564, %gather3A_564 : vector<16xf32>
      %add3A_570 = arith.addf %mul3A_568, %mul3A_569 : vector<16xf32>
      %get3A_571 = arith.constant 192 : index
      %get3A_572 = tpu.vector_load %arg17[%get3A_571] {strides = array<i32>} : memref<256xf32, #tpu.memory_space<vmem>>, vector<16xf32>,
      %mul3A_573 = arith.mulf %add3A_570, %get3A_572 : vector<16xf32>
      %add3A_574 = arith.addf %add3A_556, %mul3A_573 : vector<16xf32>
      %add3A_575 = arith.constant 13 : i32
      %add3A_576 = vector.broadcast %add3A_575 : i32 to vector<16xi32>
      %add3A_577 = arith.addi %mul3A_333, %add3A_576 : vector<16xi32>
      %gather3A_578 = tpu.vector_load_idx %arg14[%add3A_288, %add3A_577] : memref<256x128xf32, #tpu.memory_space<vmem>>[vector<16xi32>, vector<16xi32>], vector<16xf32>,
      %add3A_579 = arith.constant 13 : i32
      %add3A_580 = vector.broadcast %add3A_579 : i32 to vector<16xi32>
      %add3A_581 = arith.addi %mul3A_337, %add3A_580 : vector<16xi32>
      %gather3A_582 = tpu.vector_load_idx %arg15[%add3A_288, %add3A_581] : memref<256x128xf32, #tpu.memory_space<vmem>>[vector<16xi32>, vector<16xi32>], vector<16xf32>,
      %sub3A_583 = arith.subf %gather3A_578, %gather3A_582 : vector<16xf32>
      %mul3A_584 = arith.mulf %sub3A_583, %sub3A_583 : vector<16xf32>
      %add3A_585 = arith.addf %add3A_567, %mul3A_584 : vector<16xf32>
      %mul3A_586 = arith.mulf %gather3A_578, %gather3A_578 : vector<16xf32>
      %mul3A_587 = arith.mulf %gather3A_582, %gather3A_582 : vector<16xf32>
      %add3A_588 = arith.addf %mul3A_586, %mul3A_587 : vector<16xf32>
      %get3A_589 = arith.constant 208 : index
      %get3A_590 = tpu.vector_load %arg17[%get3A_589] {strides = array<i32>} : memref<256xf32, #tpu.memory_space<vmem>>, vector<16xf32>,
      %mul3A_591 = arith.mulf %add3A_588, %get3A_590 : vector<16xf32>
      %add3A_592 = arith.addf %add3A_574, %mul3A_591 : vector<16xf32>
      %add3A_593 = arith.constant 14 : i32
      %add3A_594 = vector.broadcast %add3A_593 : i32 to vector<16xi32>
      %add3A_595 = arith.addi %mul3A_333, %add3A_594 : vector<16xi32>
      %gather3A_596 = tpu.vector_load_idx %arg14[%add3A_288, %add3A_595] : memref<256x128xf32, #tpu.memory_space<vmem>>[vector<16xi32>, vector<16xi32>], vector<16xf32>,
      %add3A_597 = arith.constant 14 : i32
      %add3A_598 = vector.broadcast %add3A_597 : i32 to vector<16xi32>
      %add3A_599 = arith.addi %mul3A_337, %add3A_598 : vector<16xi32>
      %gather3A_600 = tpu.vector_load_idx %arg15[%add3A_288, %add3A_599] : memref<256x128xf32, #tpu.memory_space<vmem>>[vector<16xi32>, vector<16xi32>], vector<16xf32>,
      %sub3A_601 = arith.subf %gather3A_596, %gather3A_600 : vector<16xf32>
      %mul3A_602 = arith.mulf %sub3A_601, %sub3A_601 : vector<16xf32>
      %add3A_603 = arith.addf %add3A_585, %mul3A_602 : vector<16xf32>
      %mul3A_604 = arith.mulf %gather3A_596, %gather3A_596 : vector<16xf32>
      %mul3A_605 = arith.mulf %gather3A_600, %gather3A_600 : vector<16xf32>
      %add3A_606 = arith.addf %mul3A_604, %mul3A_605 : vector<16xf32>
      %get3A_607 = arith.constant 224 : index
      %get3A_608 = tpu.vector_load %arg17[%get3A_607] {strides = array<i32>} : memref<256xf32, #tpu.memory_space<vmem>>, vector<16xf32>,
      %mul3A_609 = arith.mulf %add3A_606, %get3A_608 : vector<16xf32>
      %add3A_610 = arith.addf %add3A_592, %mul3A_609 : vector<16xf32>
      %add3A_611 = arith.constant 15 : i32
      %add3A_612 = vector.broadcast %add3A_611 : i32 to vector<16xi32>
      %add3A_613 = arith.addi %mul3A_333, %add3A_612 : vector<16xi32>
      %gather3A_614 = tpu.vector_load_idx %arg14[%add3A_288, %add3A_613] : memref<256x128xf32, #tpu.memory_space<vmem>>[vector<16xi32>, vector<16xi32>], vector<16xf32>,
      %add3A_615 = arith.constant 15 : i32
      %add3A_616 = vector.broadcast %add3A_615 : i32 to vector<16xi32>
      %add3A_617 = arith.addi %mul3A_337, %add3A_616 : vector<16xi32>
      %gather3A_618 = tpu.vector_load_idx %arg15[%add3A_288, %add3A_617] : memref<256x128xf32, #tpu.memory_space<vmem>>[vector<16xi32>, vector<16xi32>], vector<16xf32>,
      %sub3A_619 = arith.subf %gather3A_614, %gather3A_618 : vector<16xf32>
      %mul3A_620 = arith.mulf %sub3A_619, %sub3A_619 : vector<16xf32>
      %add3A_621 = arith.addf %add3A_603, %mul3A_620 : vector<16xf32>
      %mul3A_622 = arith.mulf %gather3A_614, %gather3A_614 : vector<16xf32>
      %mul3A_623 = arith.mulf %gather3A_618, %gather3A_618 : vector<16xf32>
      %add3A_624 = arith.addf %mul3A_622, %mul3A_623 : vector<16xf32>
      %get3A_625 = arith.constant 240 : index
      %get3A_626 = tpu.vector_load %arg17[%get3A_625] {strides = array<i32>} : memref<256xf32, #tpu.memory_space<vmem>>, vector<16xf32>,
      %mul3A_627 = arith.mulf %add3A_624, %get3A_626 : vector<16xf32>
      %add3A_628 = arith.addf %add3A_610, %mul3A_627 : vector<16xf32>
      %mul3A_629 = arith.constant 16 : i32
      %mul3A_630 = arith.muli %scan3A_284, %mul3A_629 : i32
      %add3A_631 = arith.constant 256 : i32
      %add3A_632 = arith.addi %add3A_631, %mul3A_630 : i32
      %multiple_of3A = tpu.assume_multiple %add3A_632, 16 : i32
      %swap3A_633 = arith.index_cast %multiple_of3A : i32 to index
      %swap3A_634 = tpu.vector_load %arg18[%swap3A_633] {strides = array<i32>} : memref<512xf32, #tpu.memory_space<vmem>>, vector<16xf32>,
      tpu.vector_store %arg18[%swap3A_633], %add3A_621 {strides = array<i32>} : memref<512xf32, #tpu.memory_space<vmem>>, vector<16xf32>,
      %swap3A_635 = arith.index_cast %multiple_of3A : i32 to index
      %swap3A_636 = tpu.vector_load %arg19[%swap3A_635] {strides = array<i32>} : memref<512xf32, #tpu.memory_space<vmem>>, vector<16xf32>,
      tpu.vector_store %arg19[%swap3A_635], %add3A_628 {strides = array<i32>} : memref<512xf32, #tpu.memory_space<vmem>>, vector<16xf32>,
    }
    %scan3A_283 = arith.constant 16 : i32
    "tpu.region"() ({
      %run_scoped3A = tpu.sem_alloc : memref<!tpu.dma_semaphore, #tpu.memory_space<semaphore_mem>>
      %dma_start3A_284 = tpu.memref_slice %arg8[%mul3A_2] : memref<16384xf32, #tpu.memory_space<hbm>> -> memref<512xf32, #tpu.memory_space<hbm>>
      %dma_start3A_285 = tpu.memref_slice %arg8[%mul3A_2] : memref<16384xf32, #tpu.memory_space<hbm>> -> memref<512xf32, #tpu.memory_space<hbm>>
      tpu.enqueue_dma source(%arg18 : memref<512xf32, #tpu.memory_space<vmem>>) target(%dma_start3A_285 : memref<512xf32, #tpu.memory_space<hbm>>) target_semaphore(%run_scoped3A : memref<!tpu.dma_semaphore, #tpu.memory_space<semaphore_mem>>)
      %dma_wait3A_286 = tpu.memref_slice %arg8[%mul3A_2] : memref<16384xf32, #tpu.memory_space<hbm>> -> memref<512xf32, #tpu.memory_space<hbm>>
      %dma_wait3A_287 = tpu.memref_slice %arg8[%mul3A_2] : memref<16384xf32, #tpu.memory_space<hbm>> -> memref<512xf32, #tpu.memory_space<hbm>>
      tpu.wait_dma2 semaphore(%run_scoped3A : memref<!tpu.dma_semaphore, #tpu.memory_space<semaphore_mem>>) src(%arg18 : memref<512xf32, #tpu.memory_space<vmem>>) dst(%dma_wait3A_287 : memref<512xf32, #tpu.memory_space<hbm>>)
      tpu.yield
    }) : () -> ()
    "tpu.region"() ({
      %run_scoped3A = tpu.sem_alloc : memref<!tpu.dma_semaphore, #tpu.memory_space<semaphore_mem>>
      %dma_start3A_284 = tpu.memref_slice %arg9[%mul3A_2] : memref<16384xf32, #tpu.memory_space<hbm>> -> memref<512xf32, #tpu.memory_space<hbm>>
      %dma_start3A_285 = tpu.memref_slice %arg9[%mul3A_2] : memref<16384xf32, #tpu.memory_space<hbm>> -> memref<512xf32, #tpu.memory_space<hbm>>
      tpu.enqueue_dma source(%arg19 : memref<512xf32, #tpu.memory_space<vmem>>) target(%dma_start3A_285 : memref<512xf32, #tpu.memory_space<hbm>>) target_semaphore(%run_scoped3A : memref<!tpu.dma_semaphore, #tpu.memory_space<semaphore_mem>>)
      %dma_wait3A_286 = tpu.memref_slice %arg9[%mul3A_2] : memref<16384xf32, #tpu.memory_space<hbm>> -> memref<512xf32, #tpu.memory_space<hbm>>
      %dma_wait3A_287 = tpu.memref_slice %arg9[%mul3A_2] : memref<16384xf32, #tpu.memory_space<hbm>> -> memref<512xf32, #tpu.memory_space<hbm>>
      tpu.wait_dma2 semaphore(%run_scoped3A : memref<!tpu.dma_semaphore, #tpu.memory_space<semaphore_mem>>) src(%arg19 : memref<512xf32, #tpu.memory_space<vmem>>) dst(%dma_wait3A_287 : memref<512xf32, #tpu.memory_space<hbm>>)
      tpu.yield
    }) : () -> ()
    return
  }
}

module attributes {stable_mosaic.version = 14 : i64} {
  func.func @_tp_body(%arg0: i32, %arg1: memref<16x8192xf32, #tpu.memory_space<vmem>>, %arg2: memref<1024x128xf32, #tpu.memory_space<vmem>>) attributes {dimension_semantics = [#tpu.dimension_semantics<arbitrary>], iteration_bounds = array<i64: 123>, scalar_prefetch = 0 : i64, scratch_operands = 0 : i64, tpu.core_type = #tpu.core_type<tc>, window_params = [{transform_indices = @transform_0, window_bounds = array<i64: 16, 8192>}, {transform_indices = @transform_1, window_bounds = array<i64: 1024, 128>}]} {
    %get3A = arith.constant 0 : index
    %get3A_0 = arith.constant 0 : index
    %get3A_1 = vector.load %arg1[%get3A, %get3A_0] : memref<16x8192xf32, #tpu.memory_space<vmem>>, vector<16x8192xf32>
    %reshape3A = vector.shape_cast %get3A_1 : vector<16x8192xf32> to vector<16x1024x8xf32>
    %transpose3A = tpu.transpose %reshape3A, [1, 2, 0] : vector<16x1024x8xf32> -> vector<1024x8x16xf32>
    %reshape3A_2 = vector.shape_cast %transpose3A : vector<1024x8x16xf32> to vector<1024x128xf32>
    %swap3A = arith.constant 0 : index
    %swap3A_3 = arith.constant 0 : index
    %swap3A_4 = vector.load %arg2[%swap3A, %swap3A_3] : memref<1024x128xf32, #tpu.memory_space<vmem>>, vector<1024x128xf32>
    tpu.vector_store %arg2[%swap3A, %swap3A_3], %reshape3A_2 {strides = array<i32>} : memref<1024x128xf32, #tpu.memory_space<vmem>>, vector<1024x128xf32>,
    return
  }
  func.func @transform_0(%arg0: i32) -> (i32, i32) {
    %c0_i32 = arith.constant 0 : i32
    %c0_i32_0 = arith.constant 0 : i32
    return %c0_i32, %arg0 : i32, i32
  }
  func.func @transform_1(%arg0: i32) -> (i32, i32) {
    %c0_i32 = arith.constant 0 : i32
    %c0_i32_0 = arith.constant 0 : i32
    return %arg0, %c0_i32 : i32, i32
  }
}

module attributes {stable_mosaic.version = 14 : i64} {
  func.func @_tc_body(%arg0: memref<2xf32, #tpu.memory_space<smem>>, %arg1: memref<1x16xf32, #tpu.memory_space<vmem>>, %arg2: memref<128x128xf32, #tpu.memory_space<vmem>>, %arg3: memref<128x128xf32, #tpu.memory_space<vmem>>, %arg4: memref<128x128xi32, #tpu.memory_space<vmem>>, %arg5: memref<128x128xf32, #tpu.memory_space<vmem>>) attributes {dimension_semantics = [], scalar_prefetch = 0 : i64, scratch_operands = 0 : i64, tpu.core_type = #tpu.core_type<tc>} {
    %get3A = arith.constant 0 : index
    %get3A_0 = memref.load %arg0[%get3A] : memref<2xf32, #tpu.memory_space<smem>>
    %get3A_1 = arith.constant 1 : index
    %get3A_2 = memref.load %arg0[%get3A_1] : memref<2xf32, #tpu.memory_space<smem>>
    %log3A = arith.constant 6.28318548 : f32
    %log3A_3 = math.log %log3A : f32
    %mul3A = arith.constant 1.600000e+01 : f32
    %mul3A_4 = arith.mulf %mul3A, %log3A_3 : f32
    %get3A_5 = arith.constant 0 : index
    %get3A_6 = arith.constant 0 : index
    %get3A_7 = vector.load %arg1[%get3A_5, %get3A_6] : memref<1x16xf32, #tpu.memory_space<vmem>>, vector<1x16xf32>
    %log3A_8 = math.log %get3A_7 : vector<1x16xf32>
    %reduce_sum3A = vector.shape_cast %log3A_8 : vector<1x16xf32> to vector<1x1x16xf32>
    %reduce_sum3A_9 = arith.constant dense<0.000000e+00> : vector<1xf32>
    %reduce_sum3A_10 = vector.multi_reduction <add>, %reduce_sum3A, %reduce_sum3A_9 [1, 2] : vector<1x1x16xf32> to vector<1xf32>
    %reduce_sum3A_11 = vector.shape_cast %reduce_sum3A_10 : vector<1xf32> to vector<1x1x1xf32>
    %reduce_sum3A_12 = vector.extract %reduce_sum3A_11[0, 0, 0] : f32 from vector<1x1x1xf32>
    %add3A = arith.addf %mul3A_4, %reduce_sum3A_12 : f32
    %get3A_13 = arith.constant 0 : index
    %get3A_14 = arith.constant 0 : index
    %get3A_15 = vector.load %arg2[%get3A_13, %get3A_14] : memref<128x128xf32, #tpu.memory_space<vmem>>, vector<128x128xf32>
    %sqrt3A = math.sqrt %get3A_15 : vector<128x128xf32>
    %mul3A_16 = vector.broadcast %get3A_0 : f32 to vector<128x128xf32>
    %mul3A_17 = arith.mulf %mul3A_16, %sqrt3A : vector<128x128xf32>
    %sub3A = vector.broadcast %get3A_2 : f32 to vector<128x128xf32>
    %sub3A_18 = arith.subf %mul3A_17, %sub3A : vector<128x128xf32>
    %max3A = arith.constant 0.000000e+00 : f32
    %max3A_19 = vector.broadcast %max3A : f32 to vector<128x128xf32>
    %max3A_20 = arith.maximumf %sub3A_18, %max3A_19 : vector<128x128xf32>
    %abs3A = math.absf %sub3A_18 : vector<128x128xf32>
    %neg3A = arith.constant 0.000000e+00 : f32
    %neg3A_21 = vector.broadcast %neg3A : f32 to vector<128x128xf32>
    %neg3A_22 = arith.subf %neg3A_21, %abs3A : vector<128x128xf32>
    %exp3A = math.exp %neg3A_22 : vector<128x128xf32>
    %log1p3A = math.log1p %exp3A : vector<128x128xf32>
    %add3A_23 = arith.addf %max3A_20, %log1p3A : vector<128x128xf32>
    %sub3A_24 = arith.subf %add3A_23, %sub3A_18 : vector<128x128xf32>
    %get3A_25 = arith.constant 0 : index
    %get3A_26 = arith.constant 0 : index
    %get3A_27 = vector.load %arg3[%get3A_25, %get3A_26] : memref<128x128xf32, #tpu.memory_space<vmem>>, vector<128x128xf32>
    %mul3A_28 = arith.constant 5.000000e-01 : f32
    %mul3A_29 = vector.broadcast %mul3A_28 : f32 to vector<128x128xf32>
    %mul3A_30 = arith.mulf %mul3A_29, %get3A_27 : vector<128x128xf32>
    %add3A_31 = vector.broadcast %add3A : f32 to vector<128x128xf32>
    %add3A_32 = arith.addf %add3A_31, %mul3A_30 : vector<128x128xf32>
    %mul3A_33 = arith.constant 1.00000102E-6 : f32
    %mul3A_34 = vector.broadcast %mul3A_33 : f32 to vector<128x128xf32>
    %mul3A_35 = arith.mulf %add3A_32, %mul3A_34 : vector<128x128xf32>
    %get3A_36 = arith.constant 0 : index
    %get3A_37 = arith.constant 0 : index
    %get3A_38 = vector.load %arg4[%get3A_36, %get3A_37] : memref<128x128xi32, #tpu.memory_space<vmem>>, vector<128x128xi32>
    %eq3A = arith.constant 1 : i32
    %eq3A_39 = vector.broadcast %eq3A : i32 to vector<128x128xi32>
    %eq3A_40 = arith.cmpi eq, %get3A_38, %eq3A_39 : vector<128x128xi32>
    %select_n3A = arith.select %eq3A_40, %add3A_23, %sub3A_24 : vector<128x128xi1>, vector<128x128xf32>
    %add3A_41 = arith.addf %select_n3A, %mul3A_35 : vector<128x128xf32>
    %swap3A = arith.constant 0 : index
    %swap3A_42 = arith.constant 0 : index
    %swap3A_43 = vector.load %arg5[%swap3A, %swap3A_42] : memref<128x128xf32, #tpu.memory_space<vmem>>, vector<128x128xf32>
    tpu.vector_store %arg5[%swap3A, %swap3A_42], %add3A_41 {strides = array<i32>} : memref<128x128xf32, #tpu.memory_space<vmem>>, vector<128x128xf32>,
    return
  }
}

</mosaic_0001>

<sc_bundles>
// kernel: kernel.5.cloned.1.call-start
scs
__scs_entry_jumppad:
0x0: {  	(pc) =	sbr.rel $0x88, $3  }
0x1: {  	(tag) =	ssettag $0x0;
	lr =	simm.s32 $0x1  }
0x2: {  	[smem:$0x3F9B] =	sst lr;
	_ =	strace $0xD0000000  }
0x3: {  	_ = 	snop  }
0x4: {  	_ = 	snop  }
0x5: {  	_ = 	snop  }
0x6: {  	_ = 	snop  }
0x7: {  	_ = 	snop  }
__scs_overlays_trampoline_lowered:
0x8: {  	[smem:$0x3FAA] =	sst s0  }
0x9: {  	[smem:$0x3FAB] =	sst s1  }
0xa: {  	[smem:$0x3FAC] =	sst s2  }
0xb: {  	[smem:$0x3FAD] =	sst s3  }
0xc: {  	[smem:$0x3FAE] =	sst s4  }
0xd: {  	[smem:$0x3FAF] =	sst s5  }
0xe: {  	[smem:$0x3FB0] =	sst s6  }
0xf: {  	[smem:$0x3FB1] =	sst s7  }
0x10: {  	[smem:$0x3FB2] =	sst s8  }
0x11: {  	[smem:$0x3FB3] =	sst s9;
	s0 =	simm.s32 @!p0 $0x0  }
0x12: {  	s1 =	sld [smem:$0x3F99];
	s0 =	simm.s32 @p0 $0x1  }
0x13: {  	[smem:$0x3FB4] =	sst s0;
	s0 =	simm.s32 @!p1 $0x0  }
0x14: {  	s2 =	sld [smem:$0x3F98];
	s0 =	simm.s32 @p1 $0x1  }
0x15: {  	[smem:$0x3FB5] =	sst s0;
	s0 =	simm.s32 @!p2 $0x0  }
0x16: {  	s3 =	sld [smem:$0x3FDB];
	s0 =	simm.s32 @p2 $0x1  }
0x17: {  	s4 =	simm.s32 $0x1BF5;
	[smem:$0x3FB7] =	sst s0  }
0x18: {  	s0 =	sld [smem:$0x3F9A];
	_ =	swait.ge [sflag:s4], $0x0  }
0x19: {  	s7 =	sld [smem:$0x3F9B]  }
0x1a: {  	s8 =	sadd.s32 $0xFFFFE003, lr  }
0x1b: {  	s9 =	sadd.s32 $0xFFFFFEF7, lr;
	s5 =	simm.s32 $0xFFFFFFFF;
	p2 =	slt.u32 s8, $0xFFFFF086  }
0x1c: {  	p1 =	slt.u32 s9, $0xF7A;
	s5 =	simm.s32 @!p2 $0x0  }
0x1d: {  	s5 =	simm.s32 @p1 $0x1;
	p0 =	seq.s32 s7, s2  }
0x1e: {  	s7 =	smul.u32 @!p0 $0xF7A, s2;
	p2 =	seq.s32 @!p0 s5, $0x0  }
0x1f: {  	s9 =	smul.u32 $0xF7A, s1;
	s8 =	simm.s32 @!p0 $0x1BF5;
	p2 =	por !p2, p0  }
0x20: {  	[sflag:s8] =	ssyncset.s32 @!p0 $0xFFFFF086;
	s6 =	sadd.s32 @!p0 s3, s7;
	s7 =	simm.s32 @!p0 $0x108  }
0x21: {  	s3 =	sadd.s32 s3, s9;
	s6 =	sadd.s32 @!p0 $0x88, s6;
	s7 =	simm.s32 @p2 $0x1082  }
0x22: {  	[simem:s7], [sflag:s8] =	dma.local @!p0 [hbm:s6], $0xF7A  }
0x23: {  	s9 =	sor.u32 $0xD0000000, s2;
	s6 =	simm.s32 $0x108;
	_ =	swait.ge @!p0 [sflag:s8], $0x0  }
0x24: {  	s3 =	sadd.s32 $0x88, s3;
	s6 =	simm.s32 @!p1 $0x1082;
	[sflag:s4] =	ssyncset.s32 $0xFFFFF086  }
0x25: {  	[simem:s6], [sflag:s4] =	dma.local [hbm:s3], $0xF7A  }
0x26: {  	[smem:$0x3F9B] =	sst s1;
	(tag) =	ssettag s2;
	_ =	strace s9  }
0x27: {  	s1 =	sld [smem:$0x3FAB]  }
0x28: {  	s2 =	sld [smem:$0x3FAC]  }
0x29: {  	s4 =	sld [smem:$0x3FAE]  }
0x2a: {  	p0 =	seq.s32 s5, $0x0;
	s5 =	sld [smem:$0x3FAF]  }
0x2b: {  	s6 =	sld [smem:$0x3FB0]  }
0x2c: {  	s7 =	sld [smem:$0x3FB1]  }
0x2d: {  	s3 =	simm.s32 $0x108;
	s8 =	sld [smem:$0x3FB2]  }
0x2e: {  	s3 =	simm.s32 @!p0 $0x1082;
	s9 =	sld [smem:$0x3FB3]  }
0x2f: {  	lr =	sadd.s32 s0, s3;
	s0 =	sld [smem:$0x3FAA]  }
0x30: {  	s3 =	sld [smem:$0x3FAD]  }
0x31: {  	[smem:$0x3FB6] =	sst s10  }
0x32: {  	s10 =	sld [smem:$0x3FB4];
	_ =	sdelay $0x3  }
0x33: {  	p0 =	seq.s32 s10, $0x1;
	s10 =	sld [smem:$0x3FB6];
	_ =	sdelay $0x3  }
0x34: {  	[smem:$0x3FB6] =	sst s10  }
0x35: {  	s10 =	sld [smem:$0x3FB5];
	_ =	sdelay $0x3  }
0x36: {  	p1 =	seq.s32 s10, $0x1;
	s10 =	sld [smem:$0x3FB6];
	_ =	sdelay $0x3  }
0x37: {  	[smem:$0x3FB6] =	sst s10  }
0x38: {  	s10 =	sld [smem:$0x3FB7]  }
0x39: {  	_ = 	snop;
	(pc) =	sbr.ind lr, $3  }
0x3a: {  	_ = 	snop  }
0x3b: {  	_ = 	snop  }
0x3c: {  	p2 =	seq.s32 s10, $0x1;
	s10 =	sld [smem:$0x3FB6]  }
0x3d: {  	_ =	shalt  }
0x3e: {  	_ =	shalt  }
0x3f: {  	_ =	shalt  }
0x40: {  	_ =	shalt  }
0x41: {  	_ =	shalt  }
0x42: {  	_ =	shalt  }
0x43: {  	_ =	shalt  }
0x44: {  	_ =	shalt  }
0x45: {  	_ =	shalt  }
0x46: {  	_ =	shalt  }
0x47: {  	_ =	shalt  }
0x48: {  	_ =	shalt  }
0x49: {  	_ =	shalt  }
0x4a: {  	_ =	shalt  }
0x4b: {  	_ =	shalt  }
0x4c: {  	_ =	shalt  }
0x4d: {  	_ =	shalt  }
0x4e: {  	_ =	shalt  }
0x4f: {  	_ =	shalt  }
0x50: {  	_ =	shalt  }
0x51: {  	_ =	shalt  }
0x52: {  	_ =	shalt  }
0x53: {  	_ =	shalt  }
0x54: {  	_ =	shalt  }
0x55: {  	_ =	shalt  }
0x56: {  	_ =	shalt  }
0x57: {  	_ =	shalt  }
0x58: {  	_ =	shalt  }
0x59: {  	_ =	shalt  }
0x5a: {  	_ =	shalt  }
0x5b: {  	_ =	shalt  }
0x5c: {  	_ =	shalt  }
0x5d: {  	_ =	shalt  }
0x5e: {  	_ =	shalt  }
0x5f: {  	_ =	shalt  }
0x60: {  	_ =	shalt  }
0x61: {  	_ =	shalt  }
0x62: {  	_ =	shalt  }
0x63: {  	_ =	shalt  }
0x64: {  	_ =	shalt  }
0x65: {  	_ =	shalt  }
0x66: {  	_ =	shalt  }
0x67: {  	_ =	shalt  }
0x68: {  	_ =	shalt  }
0x69: {  	_ =	shalt  }
0x6a: {  	_ =	shalt  }
0x6b: {  	_ =	shalt  }
0x6c: {  	_ =	shalt  }
0x6d: {  	_ =	shalt  }
0x6e: {  	_ =	shalt  }
0x6f: {  	_ =	shalt  }
0x70: {  	_ =	shalt  }
0x71: {  	_ =	shalt  }
0x72: {  	_ =	shalt  }
0x73: {  	_ =	shalt  }
0x74: {  	_ =	shalt  }
0x75: {  	_ =	shalt  }
0x76: {  	_ =	shalt  }
0x77: {  	_ =	shalt  }
0x78: {  	_ =	shalt  }
0x79: {  	_ =	shalt  }
0x7a: {  	_ =	shalt  }
0x7b: {  	_ =	shalt  }
0x7c: {  	_ =	shalt  }
0x7d: {  	_ =	shalt  }
0x7e: {  	_ =	shalt  }
0x7f: {  	_ =	shalt  }
0x80: {  	_ =	shalt  }
0x81: {  	_ =	shalt  }
0x82: {  	_ =	shalt  }
0x83: {  	_ =	shalt  }
0x84: {  	_ =	shalt  }
0x85: {  	_ =	shalt  }
0x86: {  	_ =	shalt  }
0x87: {  	_ =	shalt  }
.Lfunc_end0:
.L_simem_size_0:
called_computation_lowered:
.L_overlay_start_0:
0x88: {  	s2 =	sld [smem:$0x3FD9]  }
0x89: {  	s3 =	sld [smem:$0x3FFE];
	_ =	sdelay $0x1  }
0x8a: {  	s1 =	srdreg.scid  }
0x8b: {  	s0 =	sand.u32 $0x1, s1  }
0x8c: {  	s17 =	sshll.u32 s0, $0xA;
	s2 =	sadd.s32 s3, s2  }
0x8d: {  	s2 =	sadd.s32 s2, s17  }
0x8e: {  	[smem:$0x3FC2] =	sst s2  }
0x8f: {  	_ = 	snop  }
0x90: {  	s2 =	sld [smem:$0x3FC6]  }
0x91: {  	s18 =	sld [smem:$0x3FD0];
	(tm) =	ssettm $0x1  }
0x92: {  	s4 =	sld [smem:$0x3FFB];
	_ =	sdelay $0x3  }
0x93: {  	_ =	strace s4  }
0x94: {  	s4 =	sld [smem:$0x3FFC];
	_ =	sdelay $0x3  }
0x95: {  	_ =	strace s4  }
0x96: {  	s4 =	sld [smem:$0x3FFD];
	_ =	sdelay $0x3  }
0x97: {  	_ =	strace s4  }
0x98: {  	_ =	strace $0x8FFFFFFF  }
0x99: {  	s19 =	sld [smem:$0x3FDB];
	_ =	sdelay $0x1  }
0x9a: {  	s5 =	simm.s32 $_scs_section_size  }
0x9b: {  	s6 =	simm.s32 $_size__tile_overlayer_lowered;
	s7 =	simm.s32 $_tile_overlayer_lowered  }
0x9c: {  	s22 =	simm.s32 $0x1BFF;
	s21 =	sshll.u32 s7, $0x1;
	s4 =	sadd.s32 s5, s19  }
0x9d: {  	s8 =	simm.s32 $0x0;
	s20 =	sshll.u32 s6, $0x1;
	s6 =	sadd.s32 s21, s4  }
0x9e: {  	[timem:s8], [sflag:s22] =	dma.local [hbm:s6], s20  }
0x9f: {  	_ =	swait.ge [sflag:s22], s20  }
0xa0: {  	s5 =	ssub.s32 $0x0, s20;
	[sflag:s22] =	ssyncset.done $0x0  }
0xa1: {  	[sflag:s22] =	ssyncadd.s32 s5;
	_ =	sdelay $0x1  }
0xa2: {  	s23 =	simm.s32 $0x1B8B  }
0xa3: {  	_ =	swait.ge [sflag:s23], $0x1  }
0xa4: {  	[sflag:s23] =	ssyncset.done $0x0  }
0xa5: {  	s25 =	simm.s32 $0x1B8E;
	s24 =	sld [smem:$0x3FFE];
	[sflag:s23] =	ssyncadd.s32 $0xFFFFFFFF  }
0xa6: {  	s26 =	simm.s32 $execute0_lowered;
	[smem:$0x3FD2] =	sst s25  }
0xa7: {  	s6 =	sshll.u32 s26, $0x1;
	_ =	strace $0x80000046;
	[dreg:$0x1] =	wrdreg $0xFFFFFFFF  }
0xa8: {  	s28 =	simm.s32 $_size_execute0_lowered;
	s4 =	sadd.s32 s4, s6;
	[dreg:$0x0] =	wrdreg $0x0  }
0xa9: {  	s6 =	sshll.u32 s28, $0x1;
	[dreg:$0x2] =	wrdreg s4  }
0xaa: {  	[dreg:$0x3] =	wrdreg s6  }
0xab: {  	[dreg:$0x4] =	wrdreg $0xC0  }
0xac: {  	_ =	task [dreg:s8], $0x5FFFF  }
0xad: {  	[dreg:$0x1] =	wrdreg $0xFFFFFFFF  }
0xae: {  	[dreg:$0x0] =	wrdreg $0x60  }
0xaf: {  	[dreg:$0x2] =	wrdreg s18  }
0xb0: {  	[dreg:$0x3] =	wrdreg s24  }
0xb1: {  	[dreg:$0x4] =	wrdreg s2  }
0xb2: {  	[dreg:$0x5] =	wrdreg $0x9  }
0xb3: {  	_ =	task.clear_ibuf [dreg:s8], $0x6FFFF;
	_ =	strace $0x90000046  }
0xb4: {  	s29 =	simm.s32 $0x9;
	_ =	strace $0x80000048  }
0xb5: {  	_ =	swait.ge [sflag:s29], $0x1  }
0xb6: {  	[sflag:s29] =	ssyncadd.s32 $0xFFFFFFFF  }
0xb7: {  	_ =	strace $0x90000048  }
0xb8: {  	_ =	sfence  }
0xb9: {  	s30 =	sld [smem:$0x0];
	_ =	sdelay $0x2  }
0xba: {  	s31 =	sshll.u32 s1, $0xD;
	s1 =	sshrl.u32 s1, $0x2  }
0xbb: {  	s3 =	sand.u32 $0x4000, s31;
	s1 =	sadd.s32 s1, s30  }
0xbc: {  	s0 =	sor.u32 s3, s0;
	s1 =	sshll.u32 s1, $0x11  }
0xbd: {  	s0 =	sor.u32 s1, s0  }
0xbe: {  	s0 =	sadd.s32 $0x8F2B, s0  }
0xbf: {  	[sflag:s0] =	ssyncadd.remote.s32 $0x1  }
0xc0: {  	_ =	sfence.sel $0xFFFF  }
0xc1: {  	[dreg:$0x0] =	wrdreg $0xFFFFFFFF;
	(pc) =	sbr.abs _section_cstart, $3  }
0xc2: {  	[dreg:$0x1] =	wrdreg $0xFFFFFFFF  }
0xc3: {  	_ =	task.clear_ibuf [dreg:s8], $0x2FFFF;
	_ =	strace $0x9FFFFFFF  }
0xc4: {  	(tm) =	ssettm $0x7FFFFFFF  }
0xc5: {  	_ =	shalt  }
tec
execute0_lowered:
.L_overlay_start_1:
0x0: {  	(tag) =	ssettag $0x1  }
0x1: {  	s0 =	rddreg [dreg:$0x0]  }
0x2: {  	s1 =	rddreg [dreg:$0x1];
	s2 =	srdreg.scid;
	s3 =	simm.s32 $0x0  }
0x3: {  	s4 =	stileid.u32;
	s12 =	simm.s32 $0x2;
	s13 =	simm.s32 $0x200  }
0x4: {  	s14 =	simm.s32 $0x600;
	s16 =	simm.s32 $0x80;
	s17 =	simm.s32 $0x800  }
0x5: {  	s18 =	simm.s32 $0x8800;
	s20 =	simm.s32 $0x4800;
	s22 =	simm.s32 $0xC800  }
0x6: {  	s23 =	simm.s32 $0x1;
	s26 =	simm.s32 $0x380;
	s28 =	simm.s32 $0x780  }
0x7: {  	s29 =	simm.s32 $0x10910;
	s30 =	simm.s32 $0x10B10;
	s31 =	simm.s32 $0x0  }
0x8: {  	s2 =	sand.u32 $0x1, s2;
	[smem:$0x7FF] =	sst s3;
	s4 =	sshll.u32 s4, $0x7  }
0x9: {  	s5 =	sshll.u32 s2, $0x6;
	_ =	strace $0x80000047;
	s2 =	ssub.s32 $0x2, s2  }
0xa: {  	s5 =	sor.u32 s5, s4;
	s4 =	sadd.s32 $0x2E00, s1;
	s6 =	sshrl.u32 s2, $0x1  }
0xb: {  	s1 =	sadd.s32 s5, s1;
	s2 =	ssub.s32 s2, s6;
	s5 =	sadd.s32 s0, s5  }
0xc: {  	v0 =	vlaneseq.u32;
	s6 =	sadd.s32 $0x2600, s1;
	s7 =	sadd.s32 $0x1600, s1;
	s8 =	sadd.s32 $0x1E00, s1  }
0xd: {  	v0 =	vmul.u32 $0x80, v0;
	s9 =	sadd.s32 $0x1EB400, s1;
	s10 =	sadd.s32 $0x1EBC00, s1;
	s11 =	smax.u32 s2, $0x1  }
.LBB2_1:
0xe: {  	[tilespmem:s3], [sflag:$0x2] =	stream.linear.gather [hbm4b:s5+s3], $0x200, $0x38;
	[tilespmem:$0x10D10] =	vst v63  }
0xf: {  	_ =	swait.ge [sflag:s12], $0x200  }
0x10: {  	[sflag:s12] =	ssyncset.done $0x0  }
0x11: {  	[sflag:s12] =	ssyncadd.s32 $0xFFFFFE00  }
0x12: {  	[tilespmem:s13], [sflag:$0x2] =	stream.linear.gather [hbm4b:s6+s3], $0x200, $0x38;
	[tilespmem:$0x10D10] =	vst v63  }
0x13: {  	_ =	swait.ge [sflag:s12], $0x200  }
0x14: {  	[sflag:s12] =	ssyncset.done $0x0  }
0x15: {  	s0 =	simm.s32 $0x400;
	[sflag:s12] =	ssyncadd.s32 $0xFFFFFE00  }
0x16: {  	[tilespmem:s0], [sflag:$0x2] =	stream.linear.gather [hbm4b:s7+s3], $0x200, $0x38;
	[tilespmem:$0x10D10] =	vst v63  }
0x17: {  	_ =	swait.ge [sflag:s12], $0x200  }
0x18: {  	[sflag:s12] =	ssyncset.done $0x0  }
0x19: {  	[sflag:s12] =	ssyncadd.s32 $0xFFFFFE00  }
0x1a: {  	[tilespmem:s14], [sflag:$0x2] =	stream.linear.gather [hbm4b:s8+s3], $0x200, $0x38;
	[tilespmem:$0x10D10] =	vst v63  }
0x1b: {  	_ =	swait.ge [sflag:s12], $0x200  }
0x1c: {  	[sflag:s12] =	ssyncset.done $0x0  }
0x1d: {  	[sflag:s12] =	ssyncadd.s32 $0xFFFFFE00  }
0x1e: {  	s2 =	simm.s32 $0x10800;
	s1 =	rddreg [dreg:$0x2]  }
0x1f: {  	[tilespmem:s2], [sflag:$0x2] =	stream.linear.gather [hbm4b:s1+s3], $0x10, $0x38;
	[tilespmem:$0x10D10] =	vst v63  }
0x20: {  	_ =	swait.ge [sflag:s12], $0x10  }
0x21: {  	[sflag:s12] =	ssyncset.done $0x0  }
0x22: {  	[sflag:s12] =	ssyncadd.s32 $0xFFFFFFF0  }
0x23: {  	v1 =	vld [tilespmem:$0x10800];
	_ =	sdelay $0x4  }
0x24: {  	v2 =	vbroadcast v1, $0x0  }
0x25: {  	v3 =	vbroadcast v1, $0x1  }
0x26: {  	(erf) = vrcp.f32 v2;
	v2 =	vbroadcast v1, $0x2  }
0x27: {  	(erf) = vrcp.f32 v3;
	v3 =	vbroadcast v1, $0x3  }
0x28: {  	(erf) = vrcp.f32 v2;
	v2 =	vbroadcast v1, $0x4  }
0x29: {  	(erf) = vrcp.f32 v3;
	v3 =	vbroadcast v1, $0x5  }
0x2a: {  	(erf) = vrcp.f32 v2;
	v2 =	vbroadcast v1, $0x6  }
0x2b: {  	(erf) = vrcp.f32 v3;
	v3 =	vbroadcast v1, $0x7  }
0x2c: {  	(erf) = vrcp.f32 v2;
	v2 =	vbroadcast v1, $0x8  }
0x2d: {  	(erf) = vrcp.f32 v3;
	v3 =	vbroadcast v1, $0x9  }
0x2e: {  	(erf) = vrcp.f32 v2;
	v2 =	vbroadcast v1, $0xA  }
0x2f: {  	v4 =	vpop (erf);
	(erf) = vrcp.f32 v3;
	v3 =	vbroadcast v1, $0xB  }
0x30: {  	[tilespmem:$0x10810] =	vst v4;
	v4 =	vpop (erf);
	(erf) = vrcp.f32 v2;
	v2 =	vbroadcast v1, $0xC  }
0x31: {  	[tilespmem:$0x10820] =	vst v4;
	v4 =	vpop (erf);
	(erf) = vrcp.f32 v3;
	v3 =	vbroadcast v1, $0xD  }
0x32: {  	[tilespmem:$0x10830] =	vst v4;
	v4 =	vpop (erf);
	(erf) = vrcp.f32 v2;
	v2 =	vbroadcast v1, $0xE  }
0x33: {  	v1 =	vbroadcast v1, $0xF  }
0x34: {  	[tilespmem:$0x10840] =	vst v4;
	v4 =	vpop (erf);
	(erf) = vrcp.f32 v3  }
0x35: {  	[tilespmem:$0x10850] =	vst v4;
	v3 =	vpop (erf);
	(erf) = vrcp.f32 v2  }
0x36: {  	[tilespmem:$0x10860] =	vst v3;
	v2 =	vpop (erf);
	(erf) = vrcp.f32 v1  }
0x37: {  	v1 =	vpop (erf);
	[tilespmem:$0x10870] =	vst v2  }
0x38: {  	v2 =	vpop (erf);
	[tilespmem:$0x10880] =	vst v1  }
0x39: {  	v1 =	vpop (erf);
	[tilespmem:$0x10890] =	vst v2  }
0x3a: {  	v2 =	vpop (erf);
	[tilespmem:$0x108A0] =	vst v1  }
0x3b: {  	v1 =	vpop (erf);
	[tilespmem:$0x108B0] =	vst v2  }
0x3c: {  	v2 =	vpop (erf);
	[tilespmem:$0x108C0] =	vst v1  }
0x3d: {  	v1 =	vpop (erf);
	[tilespmem:$0x108D0] =	vst v2  }
0x3e: {  	v2 =	vpop (erf);
	[tilespmem:$0x108E0] =	vst v1  }
0x3f: {  	[tilespmem:$0x108F0] =	vst v2;
	v1 =	vpop (erf)  }
0x40: {  	[tilespmem:$0x10900] =	vst v1  }
0x41: {  	[tilespmem:s17], [sflag:$0x1] =	stream.indirect.gather [hbm4b:s4+s16], $0x80, s13, s16, $0xb8;
	[tilespmem:$0x10D10] =	vst v63  }
0x42: {  	_ = 	snop  }
0x43: {  	[tilespmem:s18], [sflag:$0x1] =	stream.indirect.gather [hbm4b:s4+s16], $0x80, s14, s16, $0xb8;
	[tilespmem:$0x10D10] =	vst v63  }
0x44: {  	s24 =	simm.s32 $0x280  }
0x45: {  	[tilespmem:s20], [sflag:$0x1] =	stream.indirect.gather [hbm4b:s4+s16], $0x80, s24, s16, $0xb8;
	[tilespmem:$0x10D10] =	vst v63  }
0x46: {  	s25 =	simm.s32 $0x680  }
0x47: {  	[tilespmem:s22], [sflag:$0x1] =	stream.indirect.gather [hbm4b:s4+s16], $0x80, s25, s16, $0xb8;
	[tilespmem:$0x10D10] =	vst v63  }
0x48: {  	_ =	swait.ge [sflag:s23], $0x4000  }
0x49: {  	[sflag:s23] =	ssyncset.done $0x0  }
0x4a: {  	[sflag:s23] =	ssyncadd.s32 $0xFFFFC000  }
0x4b: {  	_ =	swait.ge [sflag:s23], $0x4000  }
0x4c: {  	[sflag:s23] =	ssyncset.done $0x0  }
0x4d: {  	[sflag:s23] =	ssyncadd.s32 $0xFFFFC000  }
0x4e: {  	_ =	swait.ge [sflag:s23], $0x4000  }
0x4f: {  	[sflag:s23] =	ssyncset.done $0x0  }
0x50: {  	[sflag:s23] =	ssyncadd.s32 $0xFFFFC000  }
0x51: {  	_ =	swait.ge [sflag:s23], $0x4000  }
0x52: {  	[sflag:s23] =	ssyncset.done $0x0  }
0x53: {  	[sflag:s23] =	ssyncadd.s32 $0xFFFFC000  }
0x54: {  	v1 =	vld [tilespmem:s0+$0x0]  }
0x55: {  	v2 =	vld [tilespmem:s3+$0x0];
	_ =	sdelay $0x2  }
0x56: {  	v3 =	vmov s3  }
0x57: {  	v3 =	vshll.u32 v3, $0x7;
	v1 =	vshll.u32 v1, $0x4  }
0x58: {  	v3 =	vor.u32 v0, v3;
	v2 =	vshll.u32 v2, $0x4;
	v1 =	vand.u32 $0x70, v1  }
0x59: {  	v2 =	vand.u32 $0x70, v2;
	v4 =	vor.u32 v3, v1  }
0x5a: {  	v7 =	vor.u32 v3, v2  }
0x5b: {  	v5 =	vor.u32 $0x2, v4  }
0x5c: {  	v9 =	vor.u32 $0x2, v7  }
0x5d: {  	v11 =	vor.u32 $0x1, v4  }
0x5e: {  	v13 =	vor.u32 $0x1, v7;
	v16 =	vld.idx.msk [tilespmem:v4+s18+$0x0], $0xffff  }
0x5f: {  	v19 =	vor.u32 $0x3, v7;
	v23 =	vld.idx.msk [tilespmem:v7+s17+$0x0], $0xffff  }
0x60: {  	v3 =	vor.u32 $0x8, v3;
	v20 =	vor.u32 $0x4, v4;
	v5 =	vld.idx.msk [tilespmem:v5+s18+$0x0], $0xffff  }
0x61: {  	v2 =	vor.u32 v2, v3;
	v3 =	vor.u32 v1, v3;
	v1 =	vor.u32 $0x4, v7;
	v9 =	vld.idx.msk [tilespmem:v9+s17+$0x0], $0xffff  }
0x62: {  	v17 =	vor.u32 $0x3, v4;
	v11 =	vld.idx.msk [tilespmem:v11+s18+$0x0], $0xffff  }
0x63: {  	v22 =	vor.u32 $0x6, v4;
	v13 =	vld.idx.msk [tilespmem:v13+s17+$0x0], $0xffff  }
0x64: {  	v18 =	vor.u32 $0x5, v7;
	v19 =	vld.idx.msk [tilespmem:v19+s17+$0x0], $0xffff  }
0x65: {  	v21 =	vor.u32 $0x5, v4;
	v20 =	vld.idx.msk [tilespmem:v20+s18+$0x0], $0xffff  }
0x66: {  	v14 =	vor.u32 $0x6, v7;
	v15 =	vor.u32 $0x7, v7;
	v24 =	vor.u32 $0x1, v3;
	v35 =	vld.idx.msk [tilespmem:v1+s17+$0x0], $0xffff  }
0x67: {  	v25 =	vor.u32 $0x2, v2;
	v26 =	vor.u32 $0x2, v3;
	v27 =	vor.u32 $0x3, v2;
	v17 =	vld.idx.msk [tilespmem:v17+s18+$0x0], $0xffff  }
0x68: {  	v28 =	vor.u32 $0x3, v3;
	v29 =	vor.u32 $0x4, v2;
	v30 =	vor.u32 $0x4, v3;
	v22 =	vld.idx.msk [tilespmem:v22+s18+$0x0], $0xffff  }
0x69: {  	v31 =	vor.u32 $0x5, v2;
	v32 =	vor.u32 $0x5, v3;
	v33 =	vor.u32 $0x6, v2;
	v18 =	vld.idx.msk [tilespmem:v18+s17+$0x0], $0xffff  }
0x6a: {  	v36 =	vor.u32 $0x6, v3;
	v38 =	vor.u32 $0x7, v3;
	v7 =	vor.u32 $0x1, v2;
	v21 =	vld.idx.msk [tilespmem:v21+s18+$0x0], $0xffff  }
0x6b: {  	v3 =	vld.idx.msk [tilespmem:v3+s18+$0x0], $0xffff;
	v34 =	vmul.f32 v16, v16;
	v16 =	vsub.f32 v23, v16;
	v23 =	vmul.f32 v23, v23  }
0x6c: {  	v1 =	vor.u32 $0x7, v2;
	v2 =	vld.idx.msk [tilespmem:v2+s17+$0x0], $0xffff;
	v37 =	vmul.f32 v5, v5;
	v63 =	vmul.f32 v11, v11  }
0x6d: {  	v12 =	vld [tilespmem:$0x10810];
	v4 =	vor.u32 $0x7, v4;
	v39 =	vmul.f32 v13, v13;
	v40 =	vmul.f32 v9, v9  }
0x6e: {  	v26 =	vld.idx.msk [tilespmem:v26+s18+$0x0], $0xffff;
	v11 =	vsub.f32 v13, v11;
	v13 =	vmul.f32 v19, v19;
	v43 =	vmul.f32 v20, v20  }
0x6f: {  	v50 =	vld.idx.msk [tilespmem:v25+s17+$0x0], $0xffff;
	v5 =	vsub.f32 v9, v5;
	v45 =	vmul.f32 v35, v35;
	v46 =	vmul.f32 v22, v22  }
0x70: {  	v19 =	vsub.f32 v19, v17;
	v17 =	vmul.f32 v17, v17;
	v51 =	vsub.f32 v18, v21  }
0x71: {  	v8 =	vld [tilespmem:$0x10820];
	v21 =	vmul.f32 v21, v21;
	v18 =	vmul.f32 v18, v18;
	v53 =	vsub.f32 v2, v3  }
0x72: {  	v10 =	vld [tilespmem:$0x10830];
	v3 =	vmul.f32 v3, v3;
	v2 =	vmul.f32 v2, v2;
	v23 =	vadd.f32 v34, v23  }
0x73: {  	v54 =	vld.idx.msk [tilespmem:v24+s18+$0x0], $0xffff;
	v20 =	vsub.f32 v35, v20;
	v16 =	vmul.f32 v16, v16;
	v11 =	vmul.f32 v11, v11  }
0x74: {  	v55 =	vsub.f32 v50, v26;
	v9 =	vmul.f32 v23, v12;
	v12 =	vld.idx.msk [tilespmem:v14+s17+$0x0], $0xffff;
	v14 =	vadd.f32 v63, v39  }
0x75: {  	v6 =	vld [tilespmem:$0x10840];
	v56 =	vmul.f32 v50, v50;
	v5 =	vmul.f32 v5, v5;
	v11 =	vadd.f32 v11, v16  }
0x76: {  	v44 =	vld [tilespmem:$0x10850];
	v42 =	vadd.f32 v37, v40;
	v9 =	vadd.f32 $0.0e+00, v9;
	v8 =	vmul.f32 v14, v8  }
0x77: {  	v48 =	vld [tilespmem:$0x10870];
	v57 =	vmul.f32 v26, v26;
	v5 =	vadd.f32 v5, v11;
	v11 =	vmul.f32 v19, v19  }
0x78: {  	v52 =	vld [tilespmem:$0x10860];
	v47 =	vadd.f32 v43, v45;
	v10 =	vmul.f32 v42, v10;
	v8 =	vadd.f32 v8, v9  }
0x79: {  	v4 =	vld.idx.msk [tilespmem:v4+s18+$0x0], $0xffff;
	v2 =	vadd.f32 v3, v2;
	v3 =	vmul.f32 v54, v54;
	v5 =	vadd.f32 v11, v5  }
0x7a: {  	v14 =	vmul.f32 v20, v20;
	v8 =	vadd.f32 v10, v8;
	v10 =	vadd.f32 v17, v13;
	v13 =	vld.idx.msk [tilespmem:v15+s17+$0x0], $0xffff  }
0x7b: {  	v59 =	vld [tilespmem:$0x108B0];
	v58 =	vadd.f32 v57, v56;
	v49 =	vmul.f32 v12, v12;
	v12 =	vsub.f32 v12, v22  }
0x7c: {  	v7 =	vld.idx.msk [tilespmem:v7+s17+$0x0], $0xffff;
	v15 =	vmul.f32 v51, v51;
	v5 =	vadd.f32 v14, v5;
	v6 =	vmul.f32 v10, v6  }
0x7d: {  	v9 =	vmul.f32 v47, v44;
	v11 =	vadd.f32 v21, v18;
	v16 =	vadd.f32 v46, v49;
	v14 =	vld.idx.msk [tilespmem:v27+s17+$0x0], $0xffff  }
0x7e: {  	v12 =	vmul.f32 v12, v12;
	v10 =	vld [tilespmem:$0x10880];
	v5 =	vadd.f32 v15, v5;
	v6 =	vadd.f32 v6, v8  }
0x7f: {  	v15 =	vld [tilespmem:$0x10890];
	v8 =	vmul.f32 v4, v4;
	v4 =	vsub.f32 v13, v4;
	v13 =	vmul.f32 v13, v13  }
0x80: {  	v11 =	vmul.f32 v11, v52;
	v16 =	vmul.f32 v16, v48;
	v6 =	vadd.f32 v9, v6;
	v9 =	vld.idx.msk [tilespmem:v28+s18+$0x0], $0xffff  }
0x81: {  	v5 =	vadd.f32 v12, v5;
	v4 =	vmul.f32 v4, v4;
	v8 =	vadd.f32 v8, v13;
	v13 =	vld.idx.msk [tilespmem:v29+s17+$0x0], $0xffff  }
0x82: {  	v12 =	vmul.f32 v53, v53;
	v60 =	vmul.f32 v14, v14;
	v6 =	vadd.f32 v11, v6;
	v11 =	vld [tilespmem:$0x108A0]  }
0x83: {  	v4 =	vadd.f32 v4, v5;
	v5 =	vmul.f32 v8, v10;
	v8 =	vmul.f32 v7, v7  }
0x84: {  	v2 =	vmul.f32 v2, v15;
	v10 =	vld.idx.msk [tilespmem:v30+s18+$0x0], $0xffff;
	v7 =	vsub.f32 v7, v54;
	v6 =	vadd.f32 v16, v6  }
0x85: {  	v61 =	vld [tilespmem:$0x108C0];
	v16 =	vmul.f32 v58, v59;
	v4 =	vadd.f32 v12, v4;
	v3 =	vadd.f32 v3, v8  }
0x86: {  	v8 =	vld.idx.msk [tilespmem:v32+s18+$0x0], $0xffff;
	v5 =	vadd.f32 v5, v6;
	v6 =	vmul.f32 v7, v7;
	v7 =	vmul.f32 v9, v9  }
0x87: {  	v12 =	vld.idx.msk [tilespmem:v31+s17+$0x0], $0xffff;
	v9 =	vsub.f32 v14, v9;
	v3 =	vmul.f32 v3, v11;
	v11 =	vmul.f32 v13, v13  }
0x88: {  	v14 =	vld [tilespmem:$0x108D0];
	v2 =	vadd.f32 v2, v5;
	v5 =	vadd.f32 v6, v4;
	v6 =	vmul.f32 v55, v55  }
0x89: {  	v15 =	vld.idx.msk [tilespmem:v36+s18+$0x0], $0xffff;
	v7 =	vadd.f32 v7, v60;
	v62 =	vmul.f32 v10, v10;
	v10 =	vsub.f32 v13, v10  }
0x8a: {  	v4 =	vld.idx.msk [tilespmem:v33+s17+$0x0], $0xffff;
	v2 =	vadd.f32 v3, v2;
	v3 =	vadd.f32 v6, v5;
	v6 =	vmul.f32 v9, v9  }
0x8b: {  	v7 =	vmul.f32 v7, v61;
	v9 =	vadd.f32 v62, v11;
	v11 =	vmul.f32 v8, v8;
	v5 =	vld [tilespmem:$0x108E0]  }
0x8c: {  	v63 =	vmul.f32 v12, v12;
	v16 =	vadd.f32 v16, v2;
	v6 =	vadd.f32 v6, v3;
	v3 =	vld.idx.msk [tilespmem:v38+s18+$0x0], $0xffff  }
0x8d: {  	v8 =	vsub.f32 v12, v8;
	v9 =	vmul.f32 v9, v14;
	v2 =	vld.idx.msk [tilespmem:v1+s17+$0x0], $0xffff  }
0x8e: {  	s15 =	simm.s32 $0x10;
	s19 =	simm.s32 $0x10B20;
	s21 =	simm.s32 $0x0;
	v13 =	vadd.f32 v11, v63;
	v11 =	vmul.f32 v10, v10;
	v12 =	vadd.f32 v7, v16  }
0x8f: {  	s1 =	simm.s32 $0x10910;
	s2 =	simm.s32 $0x10B10;
	s24 =	simm.s32 $0x10910;
	v8 =	vmul.f32 v8, v8;
	v1 =	vld [tilespmem:$0x108F0];
	v10 =	vsub.f32 v4, v15;
	v7 =	vmul.f32 v15, v15  }
.LBB2_2:
0x90: {  	v9 =	vadd.f32 v9, v12;
	v5 =	vmul.f32 v13, v5;
	v4 =	vmul.f32 v4, v4;
	s21 =	sadd.s32 $0x10, s21;
	s0 =	sadd.s32 $0x10, s0;
	s24 =	sadd.s32 $0x10, s24  }
0x91: {  	p0 =	sne.s32 s15, $0xF0;
	s25 =	smov.u32 s15;
	s15 =	sadd.s32 $0x10, s15;
	v6 =	vadd.f32 v11, v6;
	v10 =	vmul.f32 v10, v10;
	v11 =	vmul.f32 v3, v3;
	v12 =	vld [tilespmem:$0x10900]  }
0x92: {  	v5 =	vadd.f32 v5, v9;
	v4 =	vadd.f32 v7, v4;
	v7 =	vmul.f32 v2, v2  }
0x93: {  	v2 =	vsub.f32 v2, v3;
	v6 =	vadd.f32 v8, v6  }
0x94: {  	v1 =	vmul.f32 v4, v1;
	v3 =	vadd.f32 v11, v7  }
0x95: {  	v2 =	vmul.f32 v2, v2;
	v4 =	vadd.f32 v10, v6  }
0x96: {  	v1 =	vadd.f32 v1, v5;
	v3 =	vmul.f32 v3, v12  }
0x97: {  	v2 =	vadd.f32 v2, v4  }
0x98: {  	v1 =	vadd.f32 v3, v1  }
0x99: {  	[tilespmem:s1+$0x0] =	vst v2;
	s1 =	smov.u32 s24  }
0x9a: {  	[tilespmem:s2+$0x0] =	vst v1;
	s2 =	smov.u32 s19;
	_ =	sdelay $0x2  }
0x9b: {  	v1 =	vld [tilespmem:s0+$0x0]  }
0x9c: {  	v2 =	vld [tilespmem:s21+$0x0];
	_ =	sdelay $0x2  }
0x9d: {  	v3 =	vmov s25  }
0x9e: {  	v3 =	vshll.u32 v3, $0x7;
	v1 =	vshll.u32 v1, $0x4  }
0x9f: {  	v3 =	vor.u32 v0, v3;
	v2 =	vshll.u32 v2, $0x4;
	v4 =	vand.u32 $0x70, v1  }
0xa0: {  	v6 =	vor.u32 $0x8, v3;
	v2 =	vand.u32 $0x70, v2;
	v5 =	vor.u32 v3, v4;
	v1 =	vld [tilespmem:$0x108D0]  }
0xa1: {  	v3 =	vor.u32 v3, v2;
	v7 =	vor.u32 $0x1, v5;
	v8 =	vor.u32 $0x2, v5;
	v9 =	vld [tilespmem:$0x10840]  }
0xa2: {  	v10 =	vor.u32 $0x1, v3;
	v11 =	vld [tilespmem:$0x10820];
	v12 =	vor.u32 $0x6, v3;
	v13 =	vor.u32 $0x7, v3  }
0xa3: {  	v16 =	vor.u32 $0x3, v5;
	v14 =	vor.u32 $0x2, v3;
	v17 =	vor.u32 $0x5, v3;
	v15 =	vld [tilespmem:$0x10830]  }
0xa4: {  	v19 =	vor.u32 $0x4, v5;
	v20 =	vor.u32 $0x5, v5;
	v21 =	vor.u32 $0x6, v5;
	v18 =	vld [tilespmem:$0x10810]  }
0xa5: {  	v25 =	vor.u32 v4, v6;
	v23 =	vor.u32 $0x7, v5;
	v24 =	vor.u32 v2, v6;
	v22 =	vld.idx.msk [tilespmem:v5+s18+$0x0], $0xffff  }
0xa6: {  	v29 =	vor.u32 $0x1, v25;
	v27 =	vor.u32 $0x3, v3;
	v28 =	vor.u32 $0x1, v24;
	v26 =	vld.idx.msk [tilespmem:v8+s18+$0x0], $0xffff  }
0xa7: {  	v32 =	vor.u32 $0x2, v25;
	v31 =	vor.u32 $0x2, v24;
	v33 =	vor.u32 $0x3, v24;
	v30 =	vld.idx.msk [tilespmem:v3+s17+$0x0], $0xffff  }
0xa8: {  	v35 =	vor.u32 $0x3, v25;
	v34 =	vor.u32 $0x4, v3;
	v36 =	vor.u32 $0x4, v24;
	v14 =	vld.idx.msk [tilespmem:v14+s17+$0x0], $0xffff  }
0xa9: {  	v5 =	vor.u32 $0x5, v24;
	v8 =	vor.u32 $0x4, v25;
	v37 =	vld.idx.msk [tilespmem:v7+s18+$0x0], $0xffff;
	v7 =	vor.u32 $0x5, v25  }
0xaa: {  	v6 =	vor.u32 $0x6, v25;
	v4 =	vor.u32 $0x6, v24;
	v2 =	vor.u32 $0x7, v24;
	v10 =	vld.idx.msk [tilespmem:v10+s17+$0x0], $0xffff  }
0xab: {  	v3 =	vor.u32 $0x7, v25;
	v27 =	vld.idx.msk [tilespmem:v27+s17+$0x0], $0xffff  }
0xac: {  	v38 =	vmul.f32 v22, v22;
	v19 =	vld.idx.msk [tilespmem:v19+s18+$0x0], $0xffff  }
0xad: {  	v22 =	vsub.f32 v30, v22;
	v30 =	vmul.f32 v30, v30;
	v34 =	vld.idx.msk [tilespmem:v34+s17+$0x0], $0xffff  }
0xae: {  	v39 =	vmul.f32 v26, v26;
	v16 =	vld.idx.msk [tilespmem:v16+s18+$0x0], $0xffff  }
0xaf: {  	v22 =	vmul.f32 v22, v22;
	v30 =	vadd.f32 v38, v30;
	v38 =	vmul.f32 v37, v37;
	v21 =	vld.idx.msk [tilespmem:v21+s18+$0x0], $0xffff  }
0xb0: {  	v26 =	vsub.f32 v14, v26;
	v14 =	vmul.f32 v14, v14;
	v40 =	vmul.f32 v10, v10;
	v17 =	vld.idx.msk [tilespmem:v17+s17+$0x0], $0xffff  }
0xb1: {  	v10 =	vsub.f32 v10, v37;
	v18 =	vmul.f32 v30, v18;
	v30 =	vmul.f32 v27, v27;
	v12 =	vld.idx.msk [tilespmem:v12+s17+$0x0], $0xffff  }
0xb2: {  	v14 =	vadd.f32 v39, v14;
	v37 =	vadd.f32 v38, v40;
	v38 =	vmul.f32 v19, v19;
	v20 =	vld.idx.msk [tilespmem:v20+s18+$0x0], $0xffff  }
0xb3: {  	v10 =	vmul.f32 v10, v10;
	v18 =	vadd.f32 $0.0e+00, v18;
	v39 =	vmul.f32 v34, v34;
	v40 =	vld [tilespmem:$0x10850]  }
0xb4: {  	v26 =	vmul.f32 v26, v26;
	v14 =	vmul.f32 v14, v15;
	v15 =	vsub.f32 v34, v19;
	v19 =	vld.idx.msk [tilespmem:v25+s18+$0x0], $0xffff  }
0xb5: {  	v10 =	vadd.f32 v10, v22;
	v22 =	vadd.f32 v38, v39;
	v25 =	vmul.f32 v21, v21;
	v24 =	vld.idx.msk [tilespmem:v24+s17+$0x0], $0xffff  }
0xb6: {  	v11 =	vmul.f32 v37, v11;
	v27 =	vsub.f32 v27, v16;
	v15 =	vmul.f32 v15, v15;
	v34 =	vld [tilespmem:$0x10870]  }
0xb7: {  	v16 =	vmul.f32 v16, v16;
	v21 =	vsub.f32 v12, v21;
	v12 =	vmul.f32 v12, v12;
	v32 =	vld.idx.msk [tilespmem:v32+s18+$0x0], $0xffff  }
0xb8: {  	v11 =	vadd.f32 v11, v18;
	v18 =	vmul.f32 v22, v40;
	v22 =	vsub.f32 v17, v20;
	v31 =	vld.idx.msk [tilespmem:v31+s17+$0x0], $0xffff  }
0xb9: {  	v20 =	vmul.f32 v20, v20;
	v21 =	vmul.f32 v21, v21;
	v12 =	vadd.f32 v25, v12;
	v23 =	vld.idx.msk [tilespmem:v23+s18+$0x0], $0xffff  }
0xba: {  	v11 =	vadd.f32 v14, v11;
	v14 =	vadd.f32 v16, v30;
	v16 =	vmul.f32 v22, v22;
	v13 =	vld.idx.msk [tilespmem:v13+s17+$0x0], $0xffff  }
0xbb: {  	v10 =	vadd.f32 v26, v10;
	v17 =	vmul.f32 v17, v17;
	v22 =	vmul.f32 v27, v27;
	v25 =	vld [tilespmem:$0x10860]  }
0xbc: {  	v26 =	vsub.f32 v24, v19;
	v19 =	vmul.f32 v19, v19;
	v12 =	vmul.f32 v12, v34;
	v27 =	vld [tilespmem:$0x108C0]  }
0xbd: {  	v9 =	vmul.f32 v14, v9;
	v14 =	vadd.f32 v20, v17;
	v10 =	vadd.f32 v22, v10;
	v17 =	vld [tilespmem:$0x10880]  }
0xbe: {  	v30 =	vmul.f32 v32, v32;
	v22 =	vsub.f32 v31, v32;
	v20 =	vld.idx.msk [tilespmem:v29+s18+$0x0], $0xffff;
	v29 =	vmul.f32 v31, v31  }
0xbf: {  	v9 =	vadd.f32 v9, v11;
	v10 =	vadd.f32 v15, v10;
	v11 =	vmul.f32 v23, v23;
	v15 =	vld.idx.msk [tilespmem:v28+s17+$0x0], $0xffff  }
0xc0: {  	v23 =	vsub.f32 v13, v23;
	v14 =	vmul.f32 v14, v25;
	v25 =	vadd.f32 v30, v29;
	v28 =	vld.idx.msk [tilespmem:v33+s17+$0x0], $0xffff  }
0xc1: {  	v9 =	vadd.f32 v18, v9;
	v13 =	vmul.f32 v13, v13;
	v10 =	vadd.f32 v16, v10;
	v16 =	vld [tilespmem:$0x10890]  }
0xc2: {  	v18 =	vmul.f32 v23, v23;
	v23 =	vmul.f32 v24, v24;
	v24 =	vld.idx.msk [tilespmem:v35+s18+$0x0], $0xffff  }
0xc3: {  	v11 =	vadd.f32 v11, v13;
	v13 =	vmul.f32 v26, v26;
	v10 =	vadd.f32 v21, v10;
	v21 =	vld.idx.msk [tilespmem:v36+s17+$0x0], $0xffff  }
0xc4: {  	v9 =	vadd.f32 v14, v9;
	v14 =	vadd.f32 v19, v23;
	v19 =	vmul.f32 v20, v20;
	v23 =	vld [tilespmem:$0x108A0]  }
0xc5: {  	v11 =	vmul.f32 v11, v17;
	v10 =	vadd.f32 v18, v10;
	v17 =	vmul.f32 v15, v15;
	v8 =	vld.idx.msk [tilespmem:v8+s18+$0x0], $0xffff  }
0xc6: {  	v9 =	vadd.f32 v12, v9;
	v12 =	vsub.f32 v15, v20;
	v18 =	vmul.f32 v28, v28;
	v15 =	vld [tilespmem:$0x108B0]  }
0xc7: {  	v10 =	vadd.f32 v13, v10;
	v13 =	vmul.f32 v14, v16;
	v14 =	vadd.f32 v19, v17;
	v7 =	vld.idx.msk [tilespmem:v7+s18+$0x0], $0xffff  }
0xc8: {  	v9 =	vadd.f32 v11, v9;
	v11 =	vmul.f32 v12, v12;
	v12 =	vmul.f32 v24, v24;
	v16 =	vld.idx.msk [tilespmem:v5+s17+$0x0], $0xffff  }
0xc9: {  	v17 =	vmul.f32 v21, v21;
	v5 =	vmul.f32 v14, v23;
	v14 =	vsub.f32 v28, v24;
	v19 =	vld.idx.msk [tilespmem:v6+s18+$0x0], $0xffff  }
0xca: {  	v6 =	vadd.f32 v13, v9;
	v9 =	vadd.f32 v11, v10;
	v10 =	vmul.f32 v22, v22;
	v4 =	vld.idx.msk [tilespmem:v4+s17+$0x0], $0xffff  }
0xcb: {  	v12 =	vadd.f32 v12, v18;
	v13 =	vmul.f32 v8, v8;
	v11 =	vmul.f32 v25, v15  }
0xcc: {  	v6 =	vadd.f32 v5, v6;
	v9 =	vadd.f32 v10, v9;
	v10 =	vmul.f32 v14, v14;
	v5 =	vld [tilespmem:$0x108E0]  }
.Ltmp0:
0xcd: {  	v12 =	vmul.f32 v12, v27;
	v13 =	vadd.f32 v13, v17;
	v14 =	vmul.f32 v7, v7;
	v3 =	vld.idx.msk [tilespmem:v3+s18+$0x0], $0xffff;
	(pc) =	sbr.rel @p0 .LBB2_2-.Ltmp0, $4  }
0xce: {  	v11 =	vadd.f32 v11, v6;
	v6 =	vadd.f32 v10, v9;
	v10 =	vmul.f32 v16, v16;
	v2 =	vld.idx.msk [tilespmem:v2+s17+$0x0], $0xffff  }
0xcf: {  	v8 =	vsub.f32 v21, v8;
	v9 =	vmul.f32 v13, v1;
	v1 =	vsub.f32 v16, v7  }
0xd0: {  	v7 =	vmul.f32 v19, v19;
	v12 =	vadd.f32 v12, v11;
	v13 =	vadd.f32 v14, v10  }
0xd1: {  	s19 =	sadd.s32 $0x10, s19;
	v11 =	vmul.f32 v8, v8;
	v10 =	vsub.f32 v4, v19;
	v8 =	vmul.f32 v1, v1;
	v1 =	vld [tilespmem:$0x108F0]  }
0xd2: {  	v4 =	vmul.f32 v4, v4  }
0xd3: {  	v9 =	vadd.f32 v9, v12;
	v5 =	vmul.f32 v13, v5;
	v6 =	vadd.f32 v11, v6;
	v11 =	vld [tilespmem:$0x10900]  }
0xd4: {  	v12 =	vmul.f32 v3, v3;
	v4 =	vadd.f32 v7, v4;
	v7 =	vmul.f32 v2, v2  }
0xd5: {  	v10 =	vmul.f32 v10, v10;
	v2 =	vsub.f32 v2, v3;
	v6 =	vadd.f32 v8, v6  }
0xd6: {  	v3 =	vadd.f32 v5, v9;
	v1 =	vmul.f32 v4, v1;
	v4 =	vadd.f32 v12, v7  }
0xd7: {  	v2 =	vmul.f32 v2, v2;
	v5 =	vadd.f32 v10, v6  }
0xd8: {  	v1 =	vadd.f32 v1, v3;
	v3 =	vmul.f32 v4, v11  }
0xd9: {  	v2 =	vadd.f32 v2, v5  }
0xda: {  	v1 =	vadd.f32 v3, v1  }
0xdb: {  	[tilespmem:s1+$0x0] =	vst v2  }
0xdc: {  	s0 =	simm.s32 $0x300;
	[tilespmem:s2+$0x0] =	vst v1  }
0xdd: {  	[tilespmem:s17], [sflag:$0x1] =	stream.indirect.gather [hbm4b:s4+s16], $0x80, s0, s16, $0xb8;
	[tilespmem:$0x10D10] =	vst v63  }
0xde: {  	s21 =	simm.s32 $0x700  }
0xdf: {  	[tilespmem:s18], [sflag:$0x1] =	stream.indirect.gather [hbm4b:s4+s16], $0x80, s21, s16, $0xb8;
	[tilespmem:$0x10D10] =	vst v63  }
0xe0: {  	_ = 	snop  }
0xe1: {  	[tilespmem:s20], [sflag:$0x1] =	stream.indirect.gather [hbm4b:s4+s16], $0x80, s26, s16, $0xb8;
	[tilespmem:$0x10D10] =	vst v63  }
0xe2: {  	_ = 	snop  }
0xe3: {  	[tilespmem:s22], [sflag:$0x1] =	stream.indirect.gather [hbm4b:s4+s16], $0x80, s28, s16, $0xb8;
	[tilespmem:$0x10D10] =	vst v63  }
0xe4: {  	_ =	swait.ge [sflag:s23], $0x4000  }
0xe5: {  	[sflag:s23] =	ssyncset.done $0x0  }
0xe6: {  	[sflag:s23] =	ssyncadd.s32 $0xFFFFC000  }
0xe7: {  	_ =	swait.ge [sflag:s23], $0x4000  }
0xe8: {  	[sflag:s23] =	ssyncset.done $0x0  }
0xe9: {  	[sflag:s23] =	ssyncadd.s32 $0xFFFFC000  }
0xea: {  	_ =	swait.ge [sflag:s23], $0x4000  }
0xeb: {  	[sflag:s23] =	ssyncset.done $0x0  }
0xec: {  	[sflag:s23] =	ssyncadd.s32 $0xFFFFC000  }
0xed: {  	_ =	swait.ge [sflag:s23], $0x4000  }
0xee: {  	[sflag:s23] =	ssyncset.done $0x0  }
0xef: {  	s0 =	simm.s32 $0x500;
	[sflag:s23] =	ssyncadd.s32 $0xFFFFC000  }
0xf0: {  	s24 =	simm.s32 $0x100;
	v1 =	vld [tilespmem:s0+$0x0]  }
0xf1: {  	v2 =	vld [tilespmem:s24+$0x0];
	_ =	sdelay $0x1  }
0xf2: {  	s25 =	simm.s32 $0x0  }
0xf3: {  	v3 =	vmov s25  }
0xf4: {  	v3 =	vshll.u32 v3, $0x7;
	v1 =	vshll.u32 v1, $0x4  }
0xf5: {  	v3 =	vor.u32 v0, v3;
	v2 =	vshll.u32 v2, $0x4;
	v1 =	vand.u32 $0x70, v1  }
0xf6: {  	v2 =	vand.u32 $0x70, v2;
	v4 =	vor.u32 v3, v1  }
0xf7: {  	v7 =	vor.u32 v3, v2  }
0xf8: {  	v5 =	vor.u32 $0x2, v4  }
0xf9: {  	v9 =	vor.u32 $0x2, v7  }
0xfa: {  	v11 =	vor.u32 $0x1, v4  }
0xfb: {  	v13 =	vor.u32 $0x1, v7;
	v16 =	vld.idx.msk [tilespmem:v4+s18+$0x0], $0xffff  }
0xfc: {  	v19 =	vor.u32 $0x3, v7;
	v23 =	vld.idx.msk [tilespmem:v7+s17+$0x0], $0xffff  }
0xfd: {  	v3 =	vor.u32 $0x8, v3;
	v20 =	vor.u32 $0x4, v4;
	v5 =	vld.idx.msk [tilespmem:v5+s18+$0x0], $0xffff  }
0xfe: {  	v2 =	vor.u32 v2, v3;
	v3 =	vor.u32 v1, v3;
	v1 =	vor.u32 $0x4, v7;
	v9 =	vld.idx.msk [tilespmem:v9+s17+$0x0], $0xffff  }
0xff: {  	v17 =	vor.u32 $0x3, v4;
	v11 =	vld.idx.msk [tilespmem:v11+s18+$0x0], $0xffff  }
0x100: {  	v22 =	vor.u32 $0x6, v4;
	v13 =	vld.idx.msk [tilespmem:v13+s17+$0x0], $0xffff  }
0x101: {  	v18 =	vor.u32 $0x5, v7;
	v19 =	vld.idx.msk [tilespmem:v19+s17+$0x0], $0xffff  }
0x102: {  	v14 =	vor.u32 $0x6, v7;
	v15 =	vor.u32 $0x7, v7;
	v21 =	vor.u32 $0x5, v4;
	v20 =	vld.idx.msk [tilespmem:v20+s18+$0x0], $0xffff  }
0x103: {  	v24 =	vor.u32 $0x1, v3;
	v25 =	vor.u32 $0x2, v2;
	v26 =	vor.u32 $0x2, v3;
	v35 =	vld.idx.msk [tilespmem:v1+s17+$0x0], $0xffff  }
0x104: {  	v27 =	vor.u32 $0x3, v2;
	v28 =	vor.u32 $0x3, v3;
	v29 =	vor.u32 $0x4, v2;
	v17 =	vld.idx.msk [tilespmem:v17+s18+$0x0], $0xffff  }
0x105: {  	v30 =	vor.u32 $0x4, v3;
	v31 =	vor.u32 $0x5, v2;
	v32 =	vor.u32 $0x5, v3;
	v22 =	vld.idx.msk [tilespmem:v22+s18+$0x0], $0xffff  }
0x106: {  	v33 =	vor.u32 $0x6, v2;
	v36 =	vor.u32 $0x6, v3;
	v38 =	vor.u32 $0x7, v3;
	v18 =	vld.idx.msk [tilespmem:v18+s17+$0x0], $0xffff  }
0x107: {  	v4 =	vor.u32 $0x7, v4;
	v7 =	vor.u32 $0x1, v2;
	v21 =	vld.idx.msk [tilespmem:v21+s18+$0x0], $0xffff;
	v34 =	vmul.f32 v16, v16  }
0x108: {  	v3 =	vld.idx.msk [tilespmem:v3+s18+$0x0], $0xffff;
	v16 =	vsub.f32 v23, v16;
	v23 =	vmul.f32 v23, v23;
	v37 =	vmul.f32 v5, v5  }
0x109: {  	v1 =	vor.u32 $0x7, v2;
	v2 =	vld.idx.msk [tilespmem:v2+s17+$0x0], $0xffff;
	v63 =	vmul.f32 v11, v11;
	v39 =	vmul.f32 v13, v13  }
0x10a: {  	v12 =	vld [tilespmem:$0x10810];
	v40 =	vmul.f32 v9, v9;
	v11 =	vsub.f32 v13, v11;
	v13 =	vmul.f32 v19, v19  }
0x10b: {  	v26 =	vld.idx.msk [tilespmem:v26+s18+$0x0], $0xffff;
	v5 =	vsub.f32 v9, v5;
	v43 =	vmul.f32 v20, v20;
	v45 =	vmul.f32 v35, v35  }
0x10c: {  	v50 =	vld.idx.msk [tilespmem:v25+s17+$0x0], $0xffff;
	v46 =	vmul.f32 v22, v22;
	v19 =	vsub.f32 v19, v17;
	v17 =	vmul.f32 v17, v17  }
0x10d: {  	v8 =	vld [tilespmem:$0x10820];
	v51 =	vsub.f32 v18, v21;
	v21 =	vmul.f32 v21, v21;
	v18 =	vmul.f32 v18, v18  }
0x10e: {  	v53 =	vsub.f32 v2, v3;
	v3 =	vmul.f32 v3, v3;
	v23 =	vadd.f32 v34, v23  }
0x10f: {  	v10 =	vld [tilespmem:$0x10830];
	v20 =	vsub.f32 v35, v20;
	v16 =	vmul.f32 v16, v16;
	v11 =	vmul.f32 v11, v11  }
0x110: {  	v2 =	vmul.f32 v2, v2;
	v9 =	vmul.f32 v23, v12;
	v12 =	vld.idx.msk [tilespmem:v14+s17+$0x0], $0xffff;
	v14 =	vadd.f32 v63, v39  }
0x111: {  	v6 =	vld [tilespmem:$0x10840];
	v55 =	vsub.f32 v50, v26;
	v5 =	vmul.f32 v5, v5;
	v11 =	vadd.f32 v11, v16  }
0x112: {  	v54 =	vld.idx.msk [tilespmem:v24+s18+$0x0], $0xffff;
	v42 =	vadd.f32 v37, v40;
	v9 =	vadd.f32 $0.0e+00, v9;
	v8 =	vmul.f32 v14, v8  }
0x113: {  	v44 =	vld [tilespmem:$0x10850];
	v56 =	vmul.f32 v50, v50;
	v5 =	vadd.f32 v5, v11;
	v11 =	vmul.f32 v19, v19  }
0x114: {  	v48 =	vld [tilespmem:$0x10870];
	v47 =	vadd.f32 v43, v45;
	v10 =	vmul.f32 v42, v10;
	v8 =	vadd.f32 v8, v9  }
0x115: {  	v4 =	vld.idx.msk [tilespmem:v4+s18+$0x0], $0xffff;
	v57 =	vmul.f32 v26, v26;
	v2 =	vadd.f32 v3, v2;
	v5 =	vadd.f32 v11, v5  }
0x116: {  	v14 =	vmul.f32 v20, v20;
	v8 =	vadd.f32 v10, v8;
	v10 =	vadd.f32 v17, v13;
	v13 =	vld.idx.msk [tilespmem:v15+s17+$0x0], $0xffff  }
0x117: {  	v52 =	vld [tilespmem:$0x10860];
	v3 =	vmul.f32 v54, v54;
	v49 =	vmul.f32 v12, v12;
	v12 =	vsub.f32 v12, v22  }
0x118: {  	v59 =	vld [tilespmem:$0x108B0];
	v15 =	vmul.f32 v51, v51;
	v5 =	vadd.f32 v14, v5;
	v6 =	vmul.f32 v10, v6  }
0x119: {  	v7 =	vld.idx.msk [tilespmem:v7+s17+$0x0], $0xffff;
	v58 =	vadd.f32 v57, v56;
	v9 =	vmul.f32 v47, v44;
	v11 =	vadd.f32 v21, v18  }
0x11a: {  	v12 =	vmul.f32 v12, v12;
	v10 =	vld [tilespmem:$0x10880];
	v5 =	vadd.f32 v15, v5;
	v6 =	vadd.f32 v6, v8  }
0x11b: {  	v14 =	vld.idx.msk [tilespmem:v27+s17+$0x0], $0xffff;
	v8 =	vmul.f32 v4, v4;
	v4 =	vsub.f32 v13, v4;
	v13 =	vmul.f32 v13, v13  }
0x11c: {  	v16 =	vadd.f32 v46, v49;
	v11 =	vmul.f32 v11, v52;
	v15 =	vld [tilespmem:$0x10890];
	v6 =	vadd.f32 v9, v6  }
0x11d: {  	v5 =	vadd.f32 v12, v5;
	v9 =	vld.idx.msk [tilespmem:v28+s18+$0x0], $0xffff;
	v4 =	vmul.f32 v4, v4;
	v8 =	vadd.f32 v8, v13  }
0x11e: {  	v16 =	vmul.f32 v16, v48;
	v12 =	vmul.f32 v53, v53;
	v6 =	vadd.f32 v11, v6;
	v11 =	vld [tilespmem:$0x108A0]  }
0x11f: {  	v13 =	vld.idx.msk [tilespmem:v29+s17+$0x0], $0xffff;
	v4 =	vadd.f32 v4, v5;
	v5 =	vmul.f32 v8, v10;
	v8 =	vmul.f32 v7, v7  }
0x120: {  	v60 =	vmul.f32 v14, v14;
	v10 =	vld.idx.msk [tilespmem:v30+s18+$0x0], $0xffff;
	v7 =	vsub.f32 v7, v54;
	v6 =	vadd.f32 v16, v6  }
0x121: {  	v61 =	vld [tilespmem:$0x108C0];
	v2 =	vmul.f32 v2, v15;
	v16 =	vmul.f32 v58, v59;
	v3 =	vadd.f32 v3, v8  }
0x122: {  	v4 =	vadd.f32 v12, v4;
	v8 =	vld.idx.msk [tilespmem:v32+s18+$0x0], $0xffff;
	v5 =	vadd.f32 v5, v6;
	v6 =	vmul.f32 v7, v7  }
0x123: {  	v12 =	vld.idx.msk [tilespmem:v31+s17+$0x0], $0xffff;
	v7 =	vmul.f32 v9, v9;
	v9 =	vsub.f32 v14, v9;
	v3 =	vmul.f32 v3, v11  }
0x124: {  	v14 =	vld [tilespmem:$0x108D0];
	v2 =	vadd.f32 v2, v5;
	v5 =	vadd.f32 v6, v4;
	v6 =	vmul.f32 v55, v55  }
0x125: {  	v15 =	vld.idx.msk [tilespmem:v36+s18+$0x0], $0xffff;
	v11 =	vmul.f32 v13, v13;
	v7 =	vadd.f32 v7, v60;
	v62 =	vmul.f32 v10, v10  }
0x126: {  	v4 =	vld.idx.msk [tilespmem:v33+s17+$0x0], $0xffff;
	v2 =	vadd.f32 v3, v2;
	v3 =	vadd.f32 v6, v5;
	v6 =	vmul.f32 v9, v9  }
0x127: {  	v7 =	vmul.f32 v7, v61;
	v9 =	vadd.f32 v62, v11;
	v11 =	vmul.f32 v8, v8;
	v5 =	vld [tilespmem:$0x108E0]  }
0x128: {  	v63 =	vmul.f32 v12, v12;
	v16 =	vadd.f32 v16, v2;
	v6 =	vadd.f32 v6, v3;
	v3 =	vld.idx.msk [tilespmem:v38+s18+$0x0], $0xffff  }
0x129: {  	v10 =	vsub.f32 v13, v10;
	v9 =	vmul.f32 v9, v14;
	v14 =	vsub.f32 v12, v8;
	v2 =	vld.idx.msk [tilespmem:v1+s17+$0x0], $0xffff  }
0x12a: {  	s15 =	simm.s32 $0x10A10;
	s19 =	simm.s32 $0x10C10;
	s1 =	simm.s32 $0x10A10;
	v13 =	vadd.f32 v11, v63;
	v8 =	vmul.f32 v15, v15;
	v12 =	vadd.f32 v7, v16  }
0x12b: {  	s2 =	simm.s32 $0x10C10;
	s21 =	simm.s32 $0x10;
	s24 =	simm.s32 $0x110;
	v11 =	vmul.f32 v10, v10;
	v1 =	vld [tilespmem:$0x108F0];
	v10 =	vsub.f32 v4, v15;
	v7 =	vmul.f32 v14, v14  }
.LBB2_4:
0x12c: {  	v9 =	vadd.f32 v9, v12;
	v5 =	vmul.f32 v13, v5;
	v4 =	vmul.f32 v4, v4;
	s15 =	sadd.s32 $0x10, s15;
	s19 =	sadd.s32 $0x10, s19;
	s0 =	sadd.s32 $0x10, s0  }
0x12d: {  	p0 =	sne.s32 s21, $0xF0;
	s25 =	smov.u32 s21;
	s21 =	sadd.s32 $0x10, s21;
	v6 =	vadd.f32 v11, v6;
	v10 =	vmul.f32 v10, v10;
	v11 =	vmul.f32 v3, v3;
	v12 =	vld [tilespmem:$0x10900]  }
0x12e: {  	v5 =	vadd.f32 v5, v9;
	v4 =	vadd.f32 v8, v4;
	v8 =	vmul.f32 v2, v2  }
0x12f: {  	v2 =	vsub.f32 v2, v3;
	v6 =	vadd.f32 v7, v6  }
0x130: {  	v1 =	vmul.f32 v4, v1;
	v3 =	vadd.f32 v11, v8  }
0x131: {  	v2 =	vmul.f32 v2, v2;
	v4 =	vadd.f32 v10, v6  }
0x132: {  	v1 =	vadd.f32 v1, v5;
	v3 =	vmul.f32 v3, v12  }
0x133: {  	v2 =	vadd.f32 v2, v4  }
0x134: {  	v1 =	vadd.f32 v3, v1  }
0x135: {  	[tilespmem:s1+$0x0] =	vst v2;
	s1 =	smov.u32 s15  }
0x136: {  	[tilespmem:s2+$0x0] =	vst v1;
	s2 =	smov.u32 s19;
	_ =	sdelay $0x2  }
0x137: {  	v1 =	vld [tilespmem:s0+$0x0]  }
0x138: {  	v2 =	vld [tilespmem:s24+$0x0];
	_ =	sdelay $0x2  }
0x139: {  	v3 =	vmov s25  }
0x13a: {  	v3 =	vshll.u32 v3, $0x7;
	v1 =	vshll.u32 v1, $0x4  }
0x13b: {  	v3 =	vor.u32 v0, v3;
	v2 =	vshll.u32 v2, $0x4;
	v4 =	vand.u32 $0x70, v1  }
0x13c: {  	v6 =	vor.u32 $0x8, v3;
	v2 =	vand.u32 $0x70, v2;
	v5 =	vor.u32 v3, v4;
	v1 =	vld [tilespmem:$0x108D0]  }
0x13d: {  	v3 =	vor.u32 v3, v2;
	v7 =	vor.u32 $0x1, v5;
	v8 =	vor.u32 $0x2, v5;
	v9 =	vld [tilespmem:$0x10840]  }
0x13e: {  	v10 =	vor.u32 $0x1, v3;
	v11 =	vld [tilespmem:$0x10820];
	v12 =	vor.u32 $0x6, v3;
	v13 =	vor.u32 $0x7, v3  }
0x13f: {  	v16 =	vor.u32 $0x3, v5;
	v14 =	vor.u32 $0x2, v3;
	v17 =	vor.u32 $0x5, v3;
	v15 =	vld [tilespmem:$0x10830]  }
0x140: {  	v19 =	vor.u32 $0x4, v5;
	v20 =	vor.u32 $0x5, v5;
	v21 =	vor.u32 $0x6, v5;
	v18 =	vld [tilespmem:$0x10810]  }
0x141: {  	v25 =	vor.u32 v4, v6;
	v23 =	vor.u32 $0x7, v5;
	v24 =	vor.u32 v2, v6;
	v22 =	vld.idx.msk [tilespmem:v5+s18+$0x0], $0xffff  }
0x142: {  	v29 =	vor.u32 $0x1, v25;
	v27 =	vor.u32 $0x3, v3;
	v28 =	vor.u32 $0x1, v24;
	v26 =	vld.idx.msk [tilespmem:v8+s18+$0x0], $0xffff  }
0x143: {  	v32 =	vor.u32 $0x2, v25;
	v31 =	vor.u32 $0x2, v24;
	v33 =	vor.u32 $0x3, v24;
	v30 =	vld.idx.msk [tilespmem:v3+s17+$0x0], $0xffff  }
0x144: {  	v35 =	vor.u32 $0x3, v25;
	v34 =	vor.u32 $0x4, v3;
	v36 =	vor.u32 $0x4, v24;
	v14 =	vld.idx.msk [tilespmem:v14+s17+$0x0], $0xffff  }
0x145: {  	v5 =	vor.u32 $0x5, v24;
	v8 =	vor.u32 $0x4, v25;
	v37 =	vld.idx.msk [tilespmem:v7+s18+$0x0], $0xffff;
	v7 =	vor.u32 $0x5, v25  }
0x146: {  	v6 =	vor.u32 $0x6, v25;
	v4 =	vor.u32 $0x6, v24;
	v2 =	vor.u32 $0x7, v24;
	v10 =	vld.idx.msk [tilespmem:v10+s17+$0x0], $0xffff  }
0x147: {  	v3 =	vor.u32 $0x7, v25;
	v27 =	vld.idx.msk [tilespmem:v27+s17+$0x0], $0xffff  }
0x148: {  	v38 =	vmul.f32 v22, v22;
	v19 =	vld.idx.msk [tilespmem:v19+s18+$0x0], $0xffff  }
0x149: {  	v22 =	vsub.f32 v30, v22;
	v30 =	vmul.f32 v30, v30;
	v34 =	vld.idx.msk [tilespmem:v34+s17+$0x0], $0xffff  }
0x14a: {  	v39 =	vmul.f32 v26, v26;
	v16 =	vld.idx.msk [tilespmem:v16+s18+$0x0], $0xffff  }
0x14b: {  	v22 =	vmul.f32 v22, v22;
	v30 =	vadd.f32 v38, v30;
	v38 =	vmul.f32 v37, v37;
	v21 =	vld.idx.msk [tilespmem:v21+s18+$0x0], $0xffff  }
0x14c: {  	v26 =	vsub.f32 v14, v26;
	v14 =	vmul.f32 v14, v14;
	v40 =	vmul.f32 v10, v10;
	v17 =	vld.idx.msk [tilespmem:v17+s17+$0x0], $0xffff  }
0x14d: {  	v10 =	vsub.f32 v10, v37;
	v18 =	vmul.f32 v30, v18;
	v30 =	vmul.f32 v27, v27;
	v12 =	vld.idx.msk [tilespmem:v12+s17+$0x0], $0xffff  }
0x14e: {  	v14 =	vadd.f32 v39, v14;
	v37 =	vadd.f32 v38, v40;
	v38 =	vmul.f32 v19, v19;
	v20 =	vld.idx.msk [tilespmem:v20+s18+$0x0], $0xffff  }
0x14f: {  	v10 =	vmul.f32 v10, v10;
	v18 =	vadd.f32 $0.0e+00, v18;
	v39 =	vmul.f32 v34, v34;
	v40 =	vld [tilespmem:$0x10850]  }
0x150: {  	v26 =	vmul.f32 v26, v26;
	v14 =	vmul.f32 v14, v15;
	v15 =	vsub.f32 v34, v19;
	v19 =	vld.idx.msk [tilespmem:v25+s18+$0x0], $0xffff  }
0x151: {  	v10 =	vadd.f32 v10, v22;
	v22 =	vadd.f32 v38, v39;
	v25 =	vmul.f32 v21, v21;
	v24 =	vld.idx.msk [tilespmem:v24+s17+$0x0], $0xffff  }
0x152: {  	v11 =	vmul.f32 v37, v11;
	v27 =	vsub.f32 v27, v16;
	v15 =	vmul.f32 v15, v15;
	v34 =	vld [tilespmem:$0x10870]  }
0x153: {  	v16 =	vmul.f32 v16, v16;
	v21 =	vsub.f32 v12, v21;
	v12 =	vmul.f32 v12, v12;
	v32 =	vld.idx.msk [tilespmem:v32+s18+$0x0], $0xffff  }
0x154: {  	v11 =	vadd.f32 v11, v18;
	v18 =	vmul.f32 v22, v40;
	v22 =	vsub.f32 v17, v20;
	v31 =	vld.idx.msk [tilespmem:v31+s17+$0x0], $0xffff  }
0x155: {  	v20 =	vmul.f32 v20, v20;
	v21 =	vmul.f32 v21, v21;
	v12 =	vadd.f32 v25, v12;
	v23 =	vld.idx.msk [tilespmem:v23+s18+$0x0], $0xffff  }
0x156: {  	v11 =	vadd.f32 v14, v11;
	v14 =	vadd.f32 v16, v30;
	v16 =	vmul.f32 v22, v22;
	v13 =	vld.idx.msk [tilespmem:v13+s17+$0x0], $0xffff  }
0x157: {  	v10 =	vadd.f32 v26, v10;
	v17 =	vmul.f32 v17, v17;
	v22 =	vmul.f32 v27, v27;
	v25 =	vld [tilespmem:$0x10860]  }
0x158: {  	v26 =	vsub.f32 v24, v19;
	v19 =	vmul.f32 v19, v19;
	v12 =	vmul.f32 v12, v34;
	v27 =	vld [tilespmem:$0x108C0]  }
0x159: {  	v9 =	vmul.f32 v14, v9;
	v14 =	vadd.f32 v20, v17;
	v10 =	vadd.f32 v22, v10;
	v17 =	vld [tilespmem:$0x10880]  }
0x15a: {  	v30 =	vmul.f32 v32, v32;
	v22 =	vsub.f32 v31, v32;
	v20 =	vld.idx.msk [tilespmem:v29+s18+$0x0], $0xffff;
	v29 =	vmul.f32 v31, v31  }
0x15b: {  	v9 =	vadd.f32 v9, v11;
	v10 =	vadd.f32 v15, v10;
	v11 =	vmul.f32 v23, v23;
	v15 =	vld.idx.msk [tilespmem:v28+s17+$0x0], $0xffff  }
0x15c: {  	v23 =	vsub.f32 v13, v23;
	v14 =	vmul.f32 v14, v25;
	v25 =	vadd.f32 v30, v29;
	v28 =	vld.idx.msk [tilespmem:v33+s17+$0x0], $0xffff  }
0x15d: {  	v9 =	vadd.f32 v18, v9;
	v13 =	vmul.f32 v13, v13;
	v10 =	vadd.f32 v16, v10;
	v16 =	vld [tilespmem:$0x10890]  }
0x15e: {  	v18 =	vmul.f32 v23, v23;
	v23 =	vmul.f32 v24, v24;
	v24 =	vld.idx.msk [tilespmem:v35+s18+$0x0], $0xffff  }
0x15f: {  	v11 =	vadd.f32 v11, v13;
	v13 =	vmul.f32 v26, v26;
	v10 =	vadd.f32 v21, v10;
	v21 =	vld.idx.msk [tilespmem:v36+s17+$0x0], $0xffff  }
0x160: {  	v9 =	vadd.f32 v14, v9;
	v14 =	vadd.f32 v19, v23;
	v19 =	vmul.f32 v20, v20;
	v23 =	vld [tilespmem:$0x108A0]  }
0x161: {  	v11 =	vmul.f32 v11, v17;
	v10 =	vadd.f32 v18, v10;
	v17 =	vmul.f32 v15, v15;
	v8 =	vld.idx.msk [tilespmem:v8+s18+$0x0], $0xffff  }
0x162: {  	v9 =	vadd.f32 v12, v9;
	v12 =	vsub.f32 v15, v20;
	v18 =	vmul.f32 v28, v28;
	v15 =	vld [tilespmem:$0x108B0]  }
0x163: {  	v10 =	vadd.f32 v13, v10;
	v13 =	vmul.f32 v14, v16;
	v14 =	vadd.f32 v19, v17;
	v7 =	vld.idx.msk [tilespmem:v7+s18+$0x0], $0xffff  }
0x164: {  	v9 =	vadd.f32 v11, v9;
	v11 =	vmul.f32 v12, v12;
	v12 =	vmul.f32 v24, v24;
	v16 =	vld.idx.msk [tilespmem:v5+s17+$0x0], $0xffff  }
0x165: {  	v17 =	vmul.f32 v21, v21;
	v5 =	vmul.f32 v14, v23;
	v14 =	vsub.f32 v28, v24;
	v19 =	vld.idx.msk [tilespmem:v6+s18+$0x0], $0xffff  }
0x166: {  	v6 =	vadd.f32 v13, v9;
	v9 =	vadd.f32 v11, v10;
	v10 =	vmul.f32 v22, v22;
	v4 =	vld.idx.msk [tilespmem:v4+s17+$0x0], $0xffff  }
0x167: {  	v12 =	vadd.f32 v12, v18;
	v13 =	vmul.f32 v8, v8;
	v11 =	vmul.f32 v25, v15  }
0x168: {  	v6 =	vadd.f32 v5, v6;
	v9 =	vadd.f32 v10, v9;
	v10 =	vmul.f32 v14, v14;
	v5 =	vld [tilespmem:$0x108E0]  }
.Ltmp1:
0x169: {  	v12 =	vmul.f32 v12, v27;
	v13 =	vadd.f32 v13, v17;
	v14 =	vmul.f32 v7, v7;
	v3 =	vld.idx.msk [tilespmem:v3+s18+$0x0], $0xffff;
	(pc) =	sbr.rel @p0 .LBB2_4-.Ltmp1, $4  }
0x16a: {  	v11 =	vadd.f32 v11, v6;
	v6 =	vadd.f32 v10, v9;
	v10 =	vmul.f32 v16, v16;
	v2 =	vld.idx.msk [tilespmem:v2+s17+$0x0], $0xffff  }
0x16b: {  	v15 =	vsub.f32 v21, v8;
	v9 =	vmul.f32 v13, v1;
	v1 =	vsub.f32 v16, v7  }
0x16c: {  	v8 =	vmul.f32 v19, v19;
	v12 =	vadd.f32 v12, v11;
	v13 =	vadd.f32 v14, v10  }
0x16d: {  	s24 =	sadd.s32 $0x10, s24;
	v11 =	vmul.f32 v15, v15;
	v10 =	vsub.f32 v4, v19;
	v7 =	vmul.f32 v1, v1;
	v1 =	vld [tilespmem:$0x108F0]  }
0x16e: {  	v4 =	vmul.f32 v4, v4  }
0x16f: {  	v9 =	vadd.f32 v9, v12;
	v5 =	vmul.f32 v13, v5;
	v59 =	vld [tilespmem:$0x10900];
	v6 =	vadd.f32 v11, v6  }
0x170: {  	v60 =	vmul.f32 v3, v3;
	v61 =	vmul.f32 v2, v2;
	v4 =	vadd.f32 v8, v4  }
0x171: {  	v10 =	vmul.f32 v10, v10;
	v2 =	vsub.f32 v2, v3;
	v6 =	vadd.f32 v7, v6  }
0x172: {  	v3 =	vadd.f32 v5, v9;
	v62 =	vadd.f32 v60, v61;
	v1 =	vmul.f32 v4, v1  }
0x173: {  	v2 =	vmul.f32 v2, v2;
	v63 =	vadd.f32 v10, v6  }
0x174: {  	v1 =	vadd.f32 v1, v3;
	v3 =	vmul.f32 v62, v59  }
0x175: {  	v2 =	vadd.f32 v2, v63  }
0x176: {  	v1 =	vadd.f32 v3, v1  }
0x177: {  	[tilespmem:s1+$0x0] =	vst v2  }
0x178: {  	[tilespmem:s2+$0x0] =	vst v1  }
0x179: {  	[hbm4b:s9+s3] =	stream.linear.scatter [tilespmem:s29], [sflag:$0x2], $0x200, $0x38;
	[tilespmem:$0x10D10] =	vst v63  }
0x17a: {  	s31 =	sadd.s32 $0x1, s31;
	_ =	swait.ge [sflag:s12], $0x200  }
0x17b: {  	p0 =	sne.s32 s31, s11;
	[sflag:s12] =	ssyncset.done $0x0  }
.Ltmp2:
0x17c: {  	[sflag:s12] =	ssyncadd.s32 $0xFFFFFE00;
	(pc) =	sbr.rel @p0 .LBB2_1-.Ltmp2, $4  }
0x17d: {  	[hbm4b:s10+s3] =	stream.linear.scatter [tilespmem:s30], [sflag:$0x2], $0x200, $0x38;
	[tilespmem:$0x10D10] =	vst v63  }
0x17e: {  	_ =	swait.ge [sflag:s12], $0x200  }
0x17f: {  	[sflag:s12] =	ssyncset.done $0x0  }
0x180: {  	[sflag:s12] =	ssyncadd.s32 $0xFFFFFE00  }
0x181: {  	_ =	sfence.sel $0x180000  }
0x182: {  	[bflag:$0x0] =	sbarrier.arrive $0xFFFF  }
0x183: {  	_ =	strace $0x90000047  }
0x184: {  	s0 =	stileid.u32;
	[bflag:$0x2] =	sbarrier.arrive $0xFFFF  }
0x185: {  	p0 =	sne.s32 s0, $0x0;
	s0 =	rddreg [dreg:$0x3]  }
0x186: {  	s0 =	sadd.s32 @!p0 $0x100000, s0  }
0x187: {  	[sflag:s0] =	ssyncadd.tile.s32 @!p0 $0x1;
	_ =	shalt  }
.Lfunc_end2:
_tile_overlayer_lowered:
.L_overlay_start_2:
0x188: {  	(tag) =	ssettag $0x2  }
0x189: {  	s0 =	rddreg [dreg:$0x0];
	s2 =	stileid.u32  }
0x18a: {  	s1 =	rddreg [dreg:$0x1];
	p0 =	sne.s32 s2, $0x0  }
0x18b: {  	s3 =	rddreg [dreg:$0x2];
	[bflag:$0x3] =	sbarrier.arrive $0xFFFF;
	s2 =	simm.s32 @!p0 $0x1C02  }
0x18c: {  	[timem:s3], [sflag:s2] =	dma.local @!p0 [hbm:s0], s1  }
0x18d: {  	s0 =	simm.s32 @!p0 $0x2  }
0x18e: {  	_ =	swait.ge @!p0 [sflag:s0], s1  }
0x18f: {  	s1 =	ssub.s32 @!p0 $0x0, s1;
	[sflag:s0] =	ssyncset.done @!p0 $0x0  }
0x190: {  	[sflag:s0] =	ssyncadd.s32 @!p0 s1  }
0x191: {  	[bflag:$0x3] =	sbarrier.arrive $0xFFFF  }
0x192: {  	_ =	shalt  }

</sc_bundles>
